<compile_context>
chip_gen: v7x
topology: tpu7x:2x2x1
jax: 0.10.2.dev20260603
libtpu: 0.0.44.dev20260713+nightly
codegen_flags: <defaults>
</compile_context>

<pallas_src>
import functools
import jax
import jax.numpy as jnp
from jax import lax
from jax.experimental import pallas as pl
from jax.experimental.pallas import tpu as pltpu
from jax.experimental.pallas import tpu_sc as plsc

NC = 2
NS = 16
NW = NC * NS
CH = 64

N = 10000
E = 320000
D = 128
G = 64
NPAD = 10240
STRIPE = NPAD // NS
NCH = -(-E // (NW * CH))
EPAD = NW * NCH * CH

_mesh = plsc.VectorSubcoreMesh(core_axis_name="c", subcore_axis_name="s",
                               num_cores=NC, num_subcores=NS)


def _wid():
    return lax.axis_index("c") * NS + lax.axis_index("s")


def _deg_body(dst_hbm, out_hbm, dst2d, ones_v, zbuf, dacc):
    cid = lax.axis_index("c")
    sid = lax.axis_index("s")
    wid = cid * NS + sid

    @pl.loop(0, CH)
    def _(i):
        ones_v[i] = jnp.ones((16,), jnp.float32)
        zbuf[i] = jnp.zeros((16,), jnp.float32)

    @pl.loop(0, STRIPE // CH)
    def _(k):
        pltpu.sync_copy(zbuf, dacc.at[pl.ds(sid * STRIPE + k * CH, CH)])
    plsc.subcore_barrier()

    pltpu.sync_copy(dst_hbm.at[wid], dst2d)

    @pl.loop(0, NCH)
    def _(j):
        pltpu.sync_copy(ones_v, dacc.at[dst2d.at[j]], add=True)
    plsc.subcore_barrier()

    pltpu.sync_copy(dacc.at[pl.ds(sid * STRIPE, STRIPE)],
                    out_hbm.at[cid, pl.ds(sid * STRIPE, STRIPE)])


_deg_kernel = functools.partial(
    pl.kernel, _deg_body,
    out_type=jax.ShapeDtypeStruct((NC, NPAD, 16), jnp.float32),
    mesh=_mesh,
    scratch_types=[
        pltpu.VMEM((NCH, CH), jnp.int32),
        pltpu.VMEM((CH, 16), jnp.float32),
        pltpu.VMEM((CH, 16), jnp.float32),
        pltpu.VMEM_SHARED((NPAD, 16), jnp.float32),
    ],
)()


def _agg_body(y_hbm, src_hbm, dst_hbm, out_hbm, src2d, dst2d, rows, acc, sem):
    cid = lax.axis_index("c")
    sid = lax.axis_index("s")
    wid = cid * NS + sid

    @pl.loop(0, CH)
    def _(i):
        for c in range(D // 16):
            rows[i, pl.ds(c * 16, 16)] = jnp.zeros((16,), jnp.float32)

    @pl.loop(0, STRIPE // CH)
    def _(k):
        pltpu.sync_copy(rows, acc.at[pl.ds(sid * STRIPE + k * CH, CH)])
    plsc.subcore_barrier()

    pltpu.sync_copy(src_hbm.at[wid], src2d)
    pltpu.sync_copy(dst_hbm.at[wid], dst2d)

    @pl.loop(0, NCH)
    def _(j):
        pltpu.async_copy(y_hbm.at[src2d.at[j]], rows, sem).wait()
        pltpu.sync_copy(rows, acc.at[dst2d.at[j]], add=True)
    plsc.subcore_barrier()

    pltpu.sync_copy(acc.at[pl.ds(sid * STRIPE, STRIPE)],
                    out_hbm.at[cid, pl.ds(sid * STRIPE, STRIPE)])


_agg_kernel = functools.partial(
    pl.kernel, _agg_body,
    out_type=jax.ShapeDtypeStruct((NC, NPAD, D), jnp.float32),
    mesh=_mesh,
    scratch_types=[
        pltpu.VMEM((NCH, CH), jnp.int32),
        pltpu.VMEM((NCH, CH), jnp.int32),
        pltpu.VMEM((CH, D), jnp.float32),
        pltpu.VMEM_SHARED((NPAD, D), jnp.float32),
        pltpu.SemaphoreType.DMA,
    ],
)()


BLK = 5120
GRID = NPAD // BLK


def _dinv_from_deg(degp_blk):
    deg = degp_blk[0, :, 0:1] + degp_blk[1, :, 0:1] + 1.0
    return lax.rsqrt(deg)


def _y1_body(x_ref, w_ref, degp_ref, y_ref):
    dinv = _dinv_from_deg(degp_ref)
    xw = lax.dot_general(x_ref[...], w_ref[...], (((1,), (1,)), ((), ())),
                         preferred_element_type=jnp.float32)
    y_ref[...] = dinv * xw


def _y1_call(x, w1, degp):
    return pl.pallas_call(
        _y1_body,
        grid=(GRID,),
        in_specs=[
            pl.BlockSpec((BLK, D), lambda j: (j, 0)),
            pl.BlockSpec((D, D), lambda j: (0, 0)),
            pl.BlockSpec((NC, BLK, 16), lambda j: (0, j, 0)),
        ],
        out_specs=pl.BlockSpec((BLK, D), lambda j: (j, 0)),
        out_shape=jax.ShapeDtypeStruct((NPAD, D), jnp.float32),
    )(x, w1, degp)


def _combine_body(acc_ref, y_ref, degp_ref, b_ref, w_ref,
                  conv_ref, h_ref, ynext_ref):
    dinv = _dinv_from_deg(degp_ref)
    conv = dinv * (acc_ref[0] + acc_ref[1] + y_ref[...]) + b_ref[...]
    conv_ref[...] = conv
    h = jnp.maximum(conv, 0.0)
    h_ref[...] = h
    hw = lax.dot_general(h, w_ref[...], (((1,), (1,)), ((), ())),
                         preferred_element_type=jnp.float32)
    ynext_ref[...] = dinv * hw


def _combine_call(acc, y, degp, b, w_next):
    return pl.pallas_call(
        _combine_body,
        grid=(GRID,),
        in_specs=[
            pl.BlockSpec((NC, BLK, D), lambda j: (0, j, 0)),
            pl.BlockSpec((BLK, D), lambda j: (j, 0)),
            pl.BlockSpec((NC, BLK, 16), lambda j: (0, j, 0)),
            pl.BlockSpec((1, D), lambda j: (0, 0)),
            pl.BlockSpec((D, D), lambda j: (0, 0)),
        ],
        out_specs=[
            pl.BlockSpec((BLK, D), lambda j: (j, 0)),
            pl.BlockSpec((BLK, D), lambda j: (j, 0)),
            pl.BlockSpec((BLK, D), lambda j: (j, 0)),
        ],
        out_shape=[
            jax.ShapeDtypeStruct((NPAD, D), jnp.float32),
            jax.ShapeDtypeStruct((NPAD, D), jnp.float32),
            jax.ShapeDtypeStruct((NPAD, D), jnp.float32),
        ],
    )(acc, y, degp, b, w_next)


def _pool_body(acc_ref, y_ref, degp_ref, b_ref, batch_ref, wfc_ref, bfc_ref,
               conv_ref, pooled_ref, fc_ref, psum, pcnt):
    j = pl.program_id(0)
    dinv = _dinv_from_deg(degp_ref)
    conv = dinv * (acc_ref[0] + acc_ref[1] + y_ref[...]) + b_ref[...]
    conv_ref[...] = conv

    seg = lax.broadcasted_iota(jnp.int32, (1, G), 1)
    p = (batch_ref[...] == seg).astype(jnp.float32)
    part = lax.dot_general(p, conv, (((0,), (0,)), ((), ())),
                           preferred_element_type=jnp.float32)
    ones = jnp.ones((BLK, D), jnp.float32)
    cpart = lax.dot_general(p, ones, (((0,), (0,)), ((), ())),
                            preferred_element_type=jnp.float32)

    @pl.when(j == 0)
    def _():
        psum[...] = jnp.zeros((G, D), jnp.float32)
        pcnt[...] = jnp.zeros((G, D), jnp.float32)

    psum[...] += part
    pcnt[...] += cpart

    @pl.when(j == GRID - 1)
    def _():
        pooled = psum[...] / jnp.maximum(pcnt[...], 1.0)
        pooled_ref[...] = pooled
        fc = lax.dot_general(pooled, wfc_ref[...], (((1,), (1,)), ((), ())),
                             preferred_element_type=jnp.float32)
        fc_ref[...] = fc + bfc_ref[...]


def _pool_call(acc, y, degp, b, batch2d, wfc, bfc):
    ncls = wfc.shape[0]
    return pl.pallas_call(
        _pool_body,
        grid=(GRID,),
        in_specs=[
            pl.BlockSpec((NC, BLK, D), lambda j: (0, j, 0)),
            pl.BlockSpec((BLK, D), lambda j: (j, 0)),
            pl.BlockSpec((NC, BLK, 16), lambda j: (0, j, 0)),
            pl.BlockSpec((1, D), lambda j: (0, 0)),
            pl.BlockSpec((BLK, 1), lambda j: (j, 0)),
            pl.BlockSpec((ncls, D), lambda j: (0, 0)),
            pl.BlockSpec((1, ncls), lambda j: (0, 0)),
        ],
        out_specs=[
            pl.BlockSpec((BLK, D), lambda j: (j, 0)),
            pl.BlockSpec((G, D), lambda j: (0, 0)),
            pl.BlockSpec((G, ncls), lambda j: (0, 0)),
        ],
        out_shape=[
            jax.ShapeDtypeStruct((NPAD, D), jnp.float32),
            jax.ShapeDtypeStruct((G, D), jnp.float32),
            jax.ShapeDtypeStruct((G, ncls), jnp.float32),
        ],
        scratch_shapes=[
            pltpu.VMEM((G, D), jnp.float32),
            pltpu.VMEM((G, D), jnp.float32),
        ],
    )(acc, y, degp, b, batch2d, wfc, bfc)


def kernel(x, edge_index, batch, W1, b1, W2, b2, W3, b3, Wfc, bfc):
    src = edge_index[0].astype(jnp.int32)
    dst = edge_index[1].astype(jnp.int32)
    src_p = jnp.concatenate([src, jnp.zeros((EPAD - E,), jnp.int32)])
    dst_p = jnp.concatenate([dst, jnp.full((EPAD - E,), N, jnp.int32)])
    src_p = src_p.reshape(NW, NCH, CH)
    dst_p = dst_p.reshape(NW, NCH, CH)

    x_p = jnp.pad(x, ((0, NPAD - N), (0, 0)))
    batch_p = jnp.pad(batch.astype(jnp.int32), (0, NPAD - N),
                      constant_values=G).reshape(NPAD, 1)

    degp = _deg_kernel(dst_p)

    y1 = _y1_call(x_p, W1, degp)
    acc1 = _agg_kernel(y1, src_p, dst_p)
    conv1, relu1, y2 = _combine_call(acc1, y1, degp, b1.reshape(1, D), W2)

    acc2 = _agg_kernel(y2, src_p, dst_p)
    conv2, _relu2, y3 = _combine_call(acc2, y2, degp, b2.reshape(1, D), W3)

    acc3 = _agg_kernel(y3, src_p, dst_p)
    conv3, pooled, fc = _pool_call(acc3, y3, degp, b3.reshape(1, D),
                                   batch_p, Wfc, bfc.reshape(1, -1))

    activations = {
        "conv1": conv1[:N],
        "relu1": relu1[:N],
        "conv2": conv2[:N],
        "conv3": conv3[:N],
        "global_pool": pooled,
        "fc": fc,
    }
    return (fc, activations)

# --- scband reference (transcript-rebuilt; emitter-appended) ---
"""Pipeline reference for scband-gcn-23261542875425 (READ-ONLY COPY).

The authoritative reference and input builder live on the scoring server;
editing this copy changes nothing except your own understanding.
"""

import jax, jax.numpy as jnp
import numpy as np

N = 10000
E = 320000
D = 128
NUM_GRAPHS = 64
NUM_CLASSES = 2


def gcn_conv(x, edge_index, W, b):
    # Faithful PyG GCNConv: add self loops, symmetric degree normalization,
    # linear transform, scatter-add aggregation, bias after aggregation.
    n = x.shape[0]
    loop = jnp.arange(n, dtype=edge_index.dtype)
    src = jnp.concatenate([edge_index[0], loop])
    dst = jnp.concatenate([edge_index[1], loop])
    deg = jnp.zeros((n,), x.dtype).at[dst].add(1.0)
    dinv = jnp.where(deg > 0, deg ** -0.5, 0.0)
    norm = dinv[src] * dinv[dst]
    xw = x @ W.T
    msg = xw[src] * norm[:, None]
    out = jnp.zeros((n, W.shape[0]), x.dtype).at[dst].add(msg)
    return out + b


def global_mean_pool(x, batch, num_segments):
    sums = jax.ops.segment_sum(x, batch, num_segments=num_segments)
    counts = jax.ops.segment_sum(jnp.ones((x.shape[0],), x.dtype), batch, num_segments=num_segments)
    return sums / jnp.clip(counts, 1.0)[:, None]


def setup_inputs(seed: int = 0) -> dict:
    key = jax.random.key(seed)
    ks = jax.random.split(key, 12)
    x = jax.random.normal(ks[0], (N, D), dtype=jnp.float32)
    edge_index = jax.random.randint(ks[1], (2, E), 0, N)
    batch = jnp.sort(jax.random.randint(ks[2], (N,), 0, NUM_GRAPHS))
    W1 = jax.random.normal(ks[3], (D, D), dtype=jnp.float32) * 0.05
    b1 = jnp.zeros((D,), jnp.float32)
    W2 = jax.random.normal(ks[4], (D, D), dtype=jnp.float32) * 0.05
    b2 = jnp.zeros((D,), jnp.float32)
    W3 = jax.random.normal(ks[5], (D, D), dtype=jnp.float32) * 0.05
    b3 = jnp.zeros((D,), jnp.float32)
    Wfc = jax.random.normal(ks[6], (NUM_CLASSES, D), dtype=jnp.float32) * 0.05
    bfc = jnp.zeros((NUM_CLASSES,), jnp.float32)
    return {"x": x, "edge_index": edge_index, "batch": batch,
            "W1": W1, "b1": b1, "W2": W2, "b2": b2, "W3": W3, "b3": b3,
            "Wfc": Wfc, "bfc": bfc}


def reference(x, edge_index, batch, W1, b1, W2, b2, W3, b3, Wfc, bfc):
    activations = {}
    h = gcn_conv(x, edge_index, W1, b1)
    activations["conv1"] = h
    h = jax.nn.relu(h)
    activations["relu1"] = h
    # dropout p=0.0 -> identity
    h = gcn_conv(h, edge_index, W2, b2)
    activations["conv2"] = h
    h = jax.nn.relu(h)
    h = gcn_conv(h, edge_index, W3, b3)
    activations["conv3"] = h
    pooled = global_mean_pool(h, batch, NUM_GRAPHS)
    activations["global_pool"] = pooled
    out = pooled @ Wfc.T + bfc
    activations["fc"] = out
    return (out, activations)

if __name__ == "__main__":
    import jax
    _d = setup_inputs()
    print(jax.jit(kernel)(*tuple(_d.values())))

</pallas_src>

<mosaic_0001>
#map = affine_map<(d0, d1) -> (0, 0, 0)>
module attributes {stable_mosaic.version = 14 : i64} {
  func.func @_deg_body(%arg0: i32, %arg1: i32, %arg2: memref<32x157x64xi32, #tpu.memory_space<hbm>>, %arg3: memref<2x10240x16xf32, #tpu.memory_space<hbm>>, %arg4: memref<157x64xi32, #tpu.memory_space<vmem>>, %arg5: memref<64x16xf32, #tpu.memory_space<vmem>>, %arg6: memref<64x16xf32, #tpu.memory_space<vmem>>, %arg7: memref<10240x16xf32, #tpu.memory_space<vmem_shared>>) attributes {dimension_semantics = [#tpu.dimension_semantics<core_parallel>, #tpu.dimension_semantics<subcore_parallel>], iteration_bounds = array<i64: 2, 16>, scalar_prefetch = 0 : i64, scratch_operands = 4 : i64, tpu.core_type = #tpu.core_type<sc_vector_subcore>, window_params = [{transform_indices = #map}, {transform_indices = #map}]} {
    %mul3A = arith.constant 16 : i32
    %mul3A_0 = arith.muli %arg0, %mul3A : i32
    %add3A = arith.addi %mul3A_0, %arg1 : i32
    %scan3A = arith.constant 0 : i32
    %scan3A_1 = arith.constant 64 : i32
    %scan3A_2 = arith.addi %scan3A, %scan3A_1 : i32
    %scan3A_3 = arith.constant 1 : i32
    scf.for %scan3A_20 = %scan3A to %scan3A_2 step %scan3A_3  : i32 {
      %mul3A_21 = arith.constant 1 : i32
      %mul3A_22 = arith.muli %scan3A_20, %mul3A_21 : i32
      %add3A_23 = arith.constant 0 : i32
      %add3A_24 = arith.addi %add3A_23, %mul3A_22 : i32
      %broadcast_in_dim3A = arith.constant 1.000000e+00 : f32
      %broadcast_in_dim3A_25 = vector.broadcast %broadcast_in_dim3A : f32 to vector<16xf32>
      %swap3A = arith.index_cast %add3A_24 : i32 to index
      %swap3A_26 = arith.constant 0 : index
      %swap3A_27 = tpu.vector_load %arg5[%swap3A, %swap3A_26] {strides = array<i32>} : memref<64x16xf32, #tpu.memory_space<vmem>>, vector<1x16xf32>,
      %swap3A_28 = vector.shape_cast %swap3A_27 : vector<1x16xf32> to vector<16xf32>
      %swap3A_29 = vector.shape_cast %broadcast_in_dim3A_25 : vector<16xf32> to vector<1x16xf32>
      tpu.vector_store %arg5[%swap3A, %swap3A_26], %swap3A_29 {strides = array<i32>} : memref<64x16xf32, #tpu.memory_space<vmem>>, vector<1x16xf32>,
      %broadcast_in_dim3A_30 = arith.constant 0.000000e+00 : f32
      %broadcast_in_dim3A_31 = vector.broadcast %broadcast_in_dim3A_30 : f32 to vector<16xf32>
      %swap3A_32 = arith.index_cast %add3A_24 : i32 to index
      %swap3A_33 = arith.constant 0 : index
      %swap3A_34 = tpu.vector_load %arg6[%swap3A_32, %swap3A_33] {strides = array<i32>} : memref<64x16xf32, #tpu.memory_space<vmem>>, vector<1x16xf32>,
      %swap3A_35 = vector.shape_cast %swap3A_34 : vector<1x16xf32> to vector<16xf32>
      %swap3A_36 = vector.shape_cast %broadcast_in_dim3A_31 : vector<16xf32> to vector<1x16xf32>
      tpu.vector_store %arg6[%swap3A_32, %swap3A_33], %swap3A_36 {strides = array<i32>} : memref<64x16xf32, #tpu.memory_space<vmem>>, vector<1x16xf32>,
    }
    %scan3A_4 = arith.constant 64 : i32
    %scan3A_5 = arith.constant 0 : i32
    %scan3A_6 = arith.constant 10 : i32
    %scan3A_7 = arith.addi %scan3A_5, %scan3A_6 : i32
    %scan3A_8 = arith.constant 1 : i32
    scf.for %scan3A_20 = %scan3A_5 to %scan3A_7 step %scan3A_8  : i32 {
      %mul3A_21 = arith.constant 1 : i32
      %mul3A_22 = arith.muli %scan3A_20, %mul3A_21 : i32
      %add3A_23 = arith.constant 0 : i32
      %add3A_24 = arith.addi %add3A_23, %mul3A_22 : i32
      %mul3A_25 = arith.constant 640 : i32
      %mul3A_26 = arith.muli %arg1, %mul3A_25 : i32
      %mul3A_27 = arith.constant 64 : i32
      %mul3A_28 = arith.muli %add3A_24, %mul3A_27 : i32
      %add3A_29 = arith.addi %mul3A_26, %mul3A_28 : i32
      "tpu.region"() ({
        %run_scoped3A = tpu.sem_alloc : memref<!tpu.dma_semaphore, #tpu.memory_space<semaphore_mem>>
        %dma_start3A = arith.constant 0 : i32
        %dma_start3A_30 = tpu.memref_slice %arg7[%add3A_29, %dma_start3A] : memref<10240x16xf32, #tpu.memory_space<vmem_shared>> -> memref<64x16xf32, #tpu.memory_space<vmem_shared>>
        %dma_start3A_31 = arith.constant 0 : i32
        %dma_start3A_32 = tpu.memref_slice %arg7[%add3A_29, %dma_start3A_31] : memref<10240x16xf32, #tpu.memory_space<vmem_shared>> -> memref<64x16xf32, #tpu.memory_space<vmem_shared>>
        tpu.enqueue_dma source(%arg6 : memref<64x16xf32, #tpu.memory_space<vmem>>) target(%dma_start3A_32 : memref<64x16xf32, #tpu.memory_space<vmem_shared>>) target_semaphore(%run_scoped3A : memref<!tpu.dma_semaphore, #tpu.memory_space<semaphore_mem>>)
        %dma_wait3A = arith.constant 0 : i32
        %dma_wait3A_33 = tpu.memref_slice %arg7[%add3A_29, %dma_wait3A] : memref<10240x16xf32, #tpu.memory_space<vmem_shared>> -> memref<64x16xf32, #tpu.memory_space<vmem_shared>>
        %dma_wait3A_34 = arith.constant 0 : i32
        %dma_wait3A_35 = tpu.memref_slice %arg7[%add3A_29, %dma_wait3A_34] : memref<10240x16xf32, #tpu.memory_space<vmem_shared>> -> memref<64x16xf32, #tpu.memory_space<vmem_shared>>
        tpu.wait_dma2 semaphore(%run_scoped3A : memref<!tpu.dma_semaphore, #tpu.memory_space<semaphore_mem>>) src(%arg6 : memref<64x16xf32, #tpu.memory_space<vmem>>) dst(%dma_wait3A_35 : memref<64x16xf32, #tpu.memory_space<vmem_shared>>)
        tpu.yield
      }) : () -> ()
    }
    %scan3A_9 = arith.constant 10 : i32
    %barrier3A = arith.constant 0 : index
    tpu.barrier barrier_id(%barrier3A)
    "tpu.region"() ({
      %run_scoped3A = tpu.sem_alloc : memref<!tpu.dma_semaphore, #tpu.memory_space<semaphore_mem>>
      %dma_start3A = arith.constant 0 : i32
      %dma_start3A_20 = arith.constant 0 : i32
      %dma_start3A_21 = tpu.memref_slice %arg2[%add3A, %dma_start3A, %dma_start3A_20] : memref<32x157x64xi32, #tpu.memory_space<hbm>> -> memref<1x157x64xi32, #tpu.memory_space<hbm>>
      %dma_start3A_22 = tpu.memref_squeeze %dma_start3A_21 : memref<1x157x64xi32, #tpu.memory_space<hbm>> -> memref<157x64xi32, #tpu.memory_space<hbm>>
      %dma_start3A_23 = arith.constant 0 : i32
      %dma_start3A_24 = arith.constant 0 : i32
      %dma_start3A_25 = tpu.memref_slice %arg2[%add3A, %dma_start3A_23, %dma_start3A_24] : memref<32x157x64xi32, #tpu.memory_space<hbm>> -> memref<1x157x64xi32, #tpu.memory_space<hbm>>
      %dma_start3A_26 = tpu.memref_squeeze %dma_start3A_25 : memref<1x157x64xi32, #tpu.memory_space<hbm>> -> memref<157x64xi32, #tpu.memory_space<hbm>>
      tpu.enqueue_dma source(%dma_start3A_26 : memref<157x64xi32, #tpu.memory_space<hbm>>) target(%arg4 : memref<157x64xi32, #tpu.memory_space<vmem>>) target_semaphore(%run_scoped3A : memref<!tpu.dma_semaphore, #tpu.memory_space<semaphore_mem>>)
      %dma_wait3A = arith.constant 0 : i32
      %dma_wait3A_27 = arith.constant 0 : i32
      %dma_wait3A_28 = tpu.memref_slice %arg2[%add3A, %dma_wait3A, %dma_wait3A_27] : memref<32x157x64xi32, #tpu.memory_space<hbm>> -> memref<1x157x64xi32, #tpu.memory_space<hbm>>
      %dma_wait3A_29 = tpu.memref_squeeze %dma_wait3A_28 : memref<1x157x64xi32, #tpu.memory_space<hbm>> -> memref<157x64xi32, #tpu.memory_space<hbm>>
      %dma_wait3A_30 = arith.constant 0 : i32
      %dma_wait3A_31 = arith.constant 0 : i32
      %dma_wait3A_32 = tpu.memref_slice %arg2[%add3A, %dma_wait3A_30, %dma_wait3A_31] : memref<32x157x64xi32, #tpu.memory_space<hbm>> -> memref<1x157x64xi32, #tpu.memory_space<hbm>>
      %dma_wait3A_33 = tpu.memref_squeeze %dma_wait3A_32 : memref<1x157x64xi32, #tpu.memory_space<hbm>> -> memref<157x64xi32, #tpu.memory_space<hbm>>
      tpu.wait_dma2 semaphore(%run_scoped3A : memref<!tpu.dma_semaphore, #tpu.memory_space<semaphore_mem>>) src(%dma_wait3A_33 : memref<157x64xi32, #tpu.memory_space<hbm>>) dst(%arg4 : memref<157x64xi32, #tpu.memory_space<vmem>>)
      tpu.yield
    }) : () -> ()
    %scan3A_10 = arith.constant 0 : i32
    %scan3A_11 = arith.constant 157 : i32
    %scan3A_12 = arith.addi %scan3A_10, %scan3A_11 : i32
    %scan3A_13 = arith.constant 1 : i32
    scf.for %scan3A_20 = %scan3A_10 to %scan3A_12 step %scan3A_13  : i32 {
      %mul3A_21 = arith.constant 1 : i32
      %mul3A_22 = arith.muli %scan3A_20, %mul3A_21 : i32
      %add3A_23 = arith.constant 0 : i32
      %add3A_24 = arith.addi %add3A_23, %mul3A_22 : i32
      "tpu.region"() ({
        %run_scoped3A = tpu.sem_alloc : memref<!tpu.dma_semaphore, #tpu.memory_space<semaphore_mem>>
        %dma_start3A = arith.constant 0 : i32
        %dma_start3A_25 = tpu.memref_slice %arg4[%add3A_24, %dma_start3A] : memref<157x64xi32, #tpu.memory_space<vmem>> -> memref<1x64xi32, #tpu.memory_space<vmem>>
        %dma_start3A_26 = tpu.memref_squeeze %dma_start3A_25 : memref<1x64xi32, #tpu.memory_space<vmem>> -> memref<64xi32, #tpu.memory_space<vmem>>
        %dma_start3A_27 = arith.constant 0 : i32
        %dma_start3A_28 = arith.constant 0 : i32
        %dma_start3A_29 = tpu.memref_slice %arg7[%dma_start3A_27, %dma_start3A_28] : memref<10240x16xf32, #tpu.memory_space<vmem_shared>> -> memref<10240x16xf32, #tpu.memory_space<vmem_shared>>
        tpu.enqueue_indirect_dma source(%arg5 : memref<64x16xf32, #tpu.memory_space<vmem>>) target(%dma_start3A_29 : memref<10240x16xf32, #tpu.memory_space<vmem_shared>>) offsets(%dma_start3A_26 : memref<64xi32, #tpu.memory_space<vmem>>) semaphore(%run_scoped3A : memref<!tpu.dma_semaphore, #tpu.memory_space<semaphore_mem>>) {add = true}
        %dma_wait3A = arith.constant 0 : i32
        %dma_wait3A_30 = tpu.memref_slice %arg4[%add3A_24, %dma_wait3A] : memref<157x64xi32, #tpu.memory_space<vmem>> -> memref<1x64xi32, #tpu.memory_space<vmem>>
        %dma_wait3A_31 = tpu.memref_squeeze %dma_wait3A_30 : memref<1x64xi32, #tpu.memory_space<vmem>> -> memref<64xi32, #tpu.memory_space<vmem>>
        %dma_wait3A_32 = arith.constant 0 : i32
        %dma_wait3A_33 = arith.constant 0 : i32
        %dma_wait3A_34 = tpu.memref_slice %arg7[%dma_wait3A_32, %dma_wait3A_33] : memref<10240x16xf32, #tpu.memory_space<vmem_shared>> -> memref<10240x16xf32, #tpu.memory_space<vmem_shared>>
        tpu.wait_indirect_dma semaphore(%run_scoped3A : memref<!tpu.dma_semaphore, #tpu.memory_space<semaphore_mem>>) src(%arg5 : memref<64x16xf32, #tpu.memory_space<vmem>>) dst(%dma_wait3A_34 : memref<10240x16xf32, #tpu.memory_space<vmem_shared>>)
        tpu.yield
      }) : () -> ()
    }
    %scan3A_14 = arith.constant 157 : i32
    %barrier3A_15 = arith.constant 0 : index
    tpu.barrier barrier_id(%barrier3A_15)
    %mul3A_16 = arith.constant 640 : i32
    %mul3A_17 = arith.muli %arg1, %mul3A_16 : i32
    %mul3A_18 = arith.constant 640 : i32
    %mul3A_19 = arith.muli %arg1, %mul3A_18 : i32
    "tpu.region"() ({
      %run_scoped3A = tpu.sem_alloc : memref<!tpu.dma_semaphore, #tpu.memory_space<semaphore_mem>>
      %dma_start3A = arith.constant 0 : i32
      %dma_start3A_20 = tpu.memref_slice %arg3[%arg0, %mul3A_19, %dma_start3A] : memref<2x10240x16xf32, #tpu.memory_space<hbm>> -> memref<1x640x16xf32, #tpu.memory_space<hbm>>
      %dma_start3A_21 = tpu.memref_squeeze %dma_start3A_20 : memref<1x640x16xf32, #tpu.memory_space<hbm>> -> memref<640x16xf32, #tpu.memory_space<hbm>>
      %dma_start3A_22 = arith.constant 0 : i32
      %dma_start3A_23 = tpu.memref_slice %arg7[%mul3A_17, %dma_start3A_22] : memref<10240x16xf32, #tpu.memory_space<vmem_shared>> -> memref<640x16xf32, #tpu.memory_space<vmem_shared>>
      tpu.enqueue_dma source(%dma_start3A_23 : memref<640x16xf32, #tpu.memory_space<vmem_shared>>) target(%dma_start3A_21 : memref<640x16xf32, #tpu.memory_space<hbm>>) target_semaphore(%run_scoped3A : memref<!tpu.dma_semaphore, #tpu.memory_space<semaphore_mem>>)
      %dma_wait3A = arith.constant 0 : i32
      %dma_wait3A_24 = tpu.memref_slice %arg3[%arg0, %mul3A_19, %dma_wait3A] : memref<2x10240x16xf32, #tpu.memory_space<hbm>> -> memref<1x640x16xf32, #tpu.memory_space<hbm>>
      %dma_wait3A_25 = tpu.memref_squeeze %dma_wait3A_24 : memref<1x640x16xf32, #tpu.memory_space<hbm>> -> memref<640x16xf32, #tpu.memory_space<hbm>>
      %dma_wait3A_26 = arith.constant 0 : i32
      %dma_wait3A_27 = tpu.memref_slice %arg7[%mul3A_17, %dma_wait3A_26] : memref<10240x16xf32, #tpu.memory_space<vmem_shared>> -> memref<640x16xf32, #tpu.memory_space<vmem_shared>>
      tpu.wait_dma2 semaphore(%run_scoped3A : memref<!tpu.dma_semaphore, #tpu.memory_space<semaphore_mem>>) src(%dma_wait3A_27 : memref<640x16xf32, #tpu.memory_space<vmem_shared>>) dst(%dma_wait3A_25 : memref<640x16xf32, #tpu.memory_space<hbm>>)
      tpu.yield
    }) : () -> ()
    return
  }
}

#map = affine_map<(d0, d1) -> (0, 0)>
#map1 = affine_map<(d0, d1) -> (0, 0, 0)>
module attributes {stable_mosaic.version = 14 : i64} {
  func.func @_agg_body(%arg0: i32, %arg1: i32, %arg2: memref<10240x128xf32, #tpu.memory_space<hbm>>, %arg3: memref<32x157x64xi32, #tpu.memory_space<hbm>>, %arg4: memref<32x157x64xi32, #tpu.memory_space<hbm>>, %arg5: memref<2x10240x128xf32, #tpu.memory_space<hbm>>, %arg6: memref<157x64xi32, #tpu.memory_space<vmem>>, %arg7: memref<157x64xi32, #tpu.memory_space<vmem>>, %arg8: memref<64x128xf32, #tpu.memory_space<vmem>>, %arg9: memref<10240x128xf32, #tpu.memory_space<vmem_shared>>, %arg10: memref<!tpu.dma_semaphore, #tpu.memory_space<semaphore_mem>>) attributes {dimension_semantics = [#tpu.dimension_semantics<core_parallel>, #tpu.dimension_semantics<subcore_parallel>], iteration_bounds = array<i64: 2, 16>, scalar_prefetch = 0 : i64, scratch_operands = 5 : i64, tpu.core_type = #tpu.core_type<sc_vector_subcore>, window_params = [{transform_indices = #map}, {transform_indices = #map1}, {transform_indices = #map1}, {transform_indices = #map1}]} {
    %mul3A = arith.constant 16 : i32
    %mul3A_0 = arith.muli %arg0, %mul3A : i32
    %add3A = arith.addi %mul3A_0, %arg1 : i32
    %scan3A = arith.constant 0 : i32
    %scan3A_1 = arith.constant 64 : i32
    %scan3A_2 = arith.addi %scan3A, %scan3A_1 : i32
    %scan3A_3 = arith.constant 1 : i32
    scf.for %scan3A_20 = %scan3A to %scan3A_2 step %scan3A_3  : i32 {
      %mul3A_21 = arith.constant 1 : i32
      %mul3A_22 = arith.muli %scan3A_20, %mul3A_21 : i32
      %add3A_23 = arith.constant 0 : i32
      %add3A_24 = arith.addi %add3A_23, %mul3A_22 : i32
      %broadcast_in_dim3A = arith.constant 0.000000e+00 : f32
      %broadcast_in_dim3A_25 = vector.broadcast %broadcast_in_dim3A : f32 to vector<16xf32>
      %swap3A = arith.index_cast %add3A_24 : i32 to index
      %swap3A_26 = arith.constant 0 : index
      %swap3A_27 = tpu.vector_load %arg8[%swap3A, %swap3A_26] {strides = array<i32>} : memref<64x128xf32, #tpu.memory_space<vmem>>, vector<1x16xf32>,
      %swap3A_28 = vector.shape_cast %swap3A_27 : vector<1x16xf32> to vector<16xf32>
      %swap3A_29 = vector.shape_cast %broadcast_in_dim3A_25 : vector<16xf32> to vector<1x16xf32>
      tpu.vector_store %arg8[%swap3A, %swap3A_26], %swap3A_29 {strides = array<i32>} : memref<64x128xf32, #tpu.memory_space<vmem>>, vector<1x16xf32>,
      %broadcast_in_dim3A_30 = arith.constant 0.000000e+00 : f32
      %broadcast_in_dim3A_31 = vector.broadcast %broadcast_in_dim3A_30 : f32 to vector<16xf32>
      %swap3A_32 = arith.index_cast %add3A_24 : i32 to index
      %swap3A_33 = arith.constant 16 : index
      %swap3A_34 = tpu.vector_load %arg8[%swap3A_32, %swap3A_33] {strides = array<i32>} : memref<64x128xf32, #tpu.memory_space<vmem>>, vector<1x16xf32>,
      %swap3A_35 = vector.shape_cast %swap3A_34 : vector<1x16xf32> to vector<16xf32>
      %swap3A_36 = vector.shape_cast %broadcast_in_dim3A_31 : vector<16xf32> to vector<1x16xf32>
      tpu.vector_store %arg8[%swap3A_32, %swap3A_33], %swap3A_36 {strides = array<i32>} : memref<64x128xf32, #tpu.memory_space<vmem>>, vector<1x16xf32>,
      %broadcast_in_dim3A_37 = arith.constant 0.000000e+00 : f32
      %broadcast_in_dim3A_38 = vector.broadcast %broadcast_in_dim3A_37 : f32 to vector<16xf32>
      %swap3A_39 = arith.index_cast %add3A_24 : i32 to index
      %swap3A_40 = arith.constant 32 : index
      %swap3A_41 = tpu.vector_load %arg8[%swap3A_39, %swap3A_40] {strides = array<i32>} : memref<64x128xf32, #tpu.memory_space<vmem>>, vector<1x16xf32>,
      %swap3A_42 = vector.shape_cast %swap3A_41 : vector<1x16xf32> to vector<16xf32>
      %swap3A_43 = vector.shape_cast %broadcast_in_dim3A_38 : vector<16xf32> to vector<1x16xf32>
      tpu.vector_store %arg8[%swap3A_39, %swap3A_40], %swap3A_43 {strides = array<i32>} : memref<64x128xf32, #tpu.memory_space<vmem>>, vector<1x16xf32>,
      %broadcast_in_dim3A_44 = arith.constant 0.000000e+00 : f32
      %broadcast_in_dim3A_45 = vector.broadcast %broadcast_in_dim3A_44 : f32 to vector<16xf32>
      %swap3A_46 = arith.index_cast %add3A_24 : i32 to index
      %swap3A_47 = arith.constant 48 : index
      %swap3A_48 = tpu.vector_load %arg8[%swap3A_46, %swap3A_47] {strides = array<i32>} : memref<64x128xf32, #tpu.memory_space<vmem>>, vector<1x16xf32>,
      %swap3A_49 = vector.shape_cast %swap3A_48 : vector<1x16xf32> to vector<16xf32>
      %swap3A_50 = vector.shape_cast %broadcast_in_dim3A_45 : vector<16xf32> to vector<1x16xf32>
      tpu.vector_store %arg8[%swap3A_46, %swap3A_47], %swap3A_50 {strides = array<i32>} : memref<64x128xf32, #tpu.memory_space<vmem>>, vector<1x16xf32>,
      %broadcast_in_dim3A_51 = arith.constant 0.000000e+00 : f32
      %broadcast_in_dim3A_52 = vector.broadcast %broadcast_in_dim3A_51 : f32 to vector<16xf32>
      %swap3A_53 = arith.index_cast %add3A_24 : i32 to index
      %swap3A_54 = arith.constant 64 : index
      %swap3A_55 = tpu.vector_load %arg8[%swap3A_53, %swap3A_54] {strides = array<i32>} : memref<64x128xf32, #tpu.memory_space<vmem>>, vector<1x16xf32>,
      %swap3A_56 = vector.shape_cast %swap3A_55 : vector<1x16xf32> to vector<16xf32>
      %swap3A_57 = vector.shape_cast %broadcast_in_dim3A_52 : vector<16xf32> to vector<1x16xf32>
      tpu.vector_store %arg8[%swap3A_53, %swap3A_54], %swap3A_57 {strides = array<i32>} : memref<64x128xf32, #tpu.memory_space<vmem>>, vector<1x16xf32>,
      %broadcast_in_dim3A_58 = arith.constant 0.000000e+00 : f32
      %broadcast_in_dim3A_59 = vector.broadcast %broadcast_in_dim3A_58 : f32 to vector<16xf32>
      %swap3A_60 = arith.index_cast %add3A_24 : i32 to index
      %swap3A_61 = arith.constant 80 : index
      %swap3A_62 = tpu.vector_load %arg8[%swap3A_60, %swap3A_61] {strides = array<i32>} : memref<64x128xf32, #tpu.memory_space<vmem>>, vector<1x16xf32>,
      %swap3A_63 = vector.shape_cast %swap3A_62 : vector<1x16xf32> to vector<16xf32>
      %swap3A_64 = vector.shape_cast %broadcast_in_dim3A_59 : vector<16xf32> to vector<1x16xf32>
      tpu.vector_store %arg8[%swap3A_60, %swap3A_61], %swap3A_64 {strides = array<i32>} : memref<64x128xf32, #tpu.memory_space<vmem>>, vector<1x16xf32>,
      %broadcast_in_dim3A_65 = arith.constant 0.000000e+00 : f32
      %broadcast_in_dim3A_66 = vector.broadcast %broadcast_in_dim3A_65 : f32 to vector<16xf32>
      %swap3A_67 = arith.index_cast %add3A_24 : i32 to index
      %swap3A_68 = arith.constant 96 : index
      %swap3A_69 = tpu.vector_load %arg8[%swap3A_67, %swap3A_68] {strides = array<i32>} : memref<64x128xf32, #tpu.memory_space<vmem>>, vector<1x16xf32>,
      %swap3A_70 = vector.shape_cast %swap3A_69 : vector<1x16xf32> to vector<16xf32>
      %swap3A_71 = vector.shape_cast %broadcast_in_dim3A_66 : vector<16xf32> to vector<1x16xf32>
      tpu.vector_store %arg8[%swap3A_67, %swap3A_68], %swap3A_71 {strides = array<i32>} : memref<64x128xf32, #tpu.memory_space<vmem>>, vector<1x16xf32>,
      %broadcast_in_dim3A_72 = arith.constant 0.000000e+00 : f32
      %broadcast_in_dim3A_73 = vector.broadcast %broadcast_in_dim3A_72 : f32 to vector<16xf32>
      %swap3A_74 = arith.index_cast %add3A_24 : i32 to index
      %swap3A_75 = arith.constant 112 : index
      %swap3A_76 = tpu.vector_load %arg8[%swap3A_74, %swap3A_75] {strides = array<i32>} : memref<64x128xf32, #tpu.memory_space<vmem>>, vector<1x16xf32>,
      %swap3A_77 = vector.shape_cast %swap3A_76 : vector<1x16xf32> to vector<16xf32>
      %swap3A_78 = vector.shape_cast %broadcast_in_dim3A_73 : vector<16xf32> to vector<1x16xf32>
      tpu.vector_store %arg8[%swap3A_74, %swap3A_75], %swap3A_78 {strides = array<i32>} : memref<64x128xf32, #tpu.memory_space<vmem>>, vector<1x16xf32>,
    }
    %scan3A_4 = arith.constant 64 : i32
    %scan3A_5 = arith.constant 0 : i32
    %scan3A_6 = arith.constant 10 : i32
    %scan3A_7 = arith.addi %scan3A_5, %scan3A_6 : i32
    %scan3A_8 = arith.constant 1 : i32
    scf.for %scan3A_20 = %scan3A_5 to %scan3A_7 step %scan3A_8  : i32 {
      %mul3A_21 = arith.constant 1 : i32
      %mul3A_22 = arith.muli %scan3A_20, %mul3A_21 : i32
      %add3A_23 = arith.constant 0 : i32
      %add3A_24 = arith.addi %add3A_23, %mul3A_22 : i32
      %mul3A_25 = arith.constant 640 : i32
      %mul3A_26 = arith.muli %arg1, %mul3A_25 : i32
      %mul3A_27 = arith.constant 64 : i32
      %mul3A_28 = arith.muli %add3A_24, %mul3A_27 : i32
      %add3A_29 = arith.addi %mul3A_26, %mul3A_28 : i32
      "tpu.region"() ({
        %run_scoped3A = tpu.sem_alloc : memref<!tpu.dma_semaphore, #tpu.memory_space<semaphore_mem>>
        %dma_start3A = arith.constant 0 : i32
        %dma_start3A_30 = tpu.memref_slice %arg9[%add3A_29, %dma_start3A] : memref<10240x128xf32, #tpu.memory_space<vmem_shared>> -> memref<64x128xf32, #tpu.memory_space<vmem_shared>>
        %dma_start3A_31 = arith.constant 0 : i32
        %dma_start3A_32 = tpu.memref_slice %arg9[%add3A_29, %dma_start3A_31] : memref<10240x128xf32, #tpu.memory_space<vmem_shared>> -> memref<64x128xf32, #tpu.memory_space<vmem_shared>>
        tpu.enqueue_dma source(%arg8 : memref<64x128xf32, #tpu.memory_space<vmem>>) target(%dma_start3A_32 : memref<64x128xf32, #tpu.memory_space<vmem_shared>>) target_semaphore(%run_scoped3A : memref<!tpu.dma_semaphore, #tpu.memory_space<semaphore_mem>>)
        %dma_wait3A = arith.constant 0 : i32
        %dma_wait3A_33 = tpu.memref_slice %arg9[%add3A_29, %dma_wait3A] : memref<10240x128xf32, #tpu.memory_space<vmem_shared>> -> memref<64x128xf32, #tpu.memory_space<vmem_shared>>
        %dma_wait3A_34 = arith.constant 0 : i32
        %dma_wait3A_35 = tpu.memref_slice %arg9[%add3A_29, %dma_wait3A_34] : memref<10240x128xf32, #tpu.memory_space<vmem_shared>> -> memref<64x128xf32, #tpu.memory_space<vmem_shared>>
        tpu.wait_dma2 semaphore(%run_scoped3A : memref<!tpu.dma_semaphore, #tpu.memory_space<semaphore_mem>>) src(%arg8 : memref<64x128xf32, #tpu.memory_space<vmem>>) dst(%dma_wait3A_35 : memref<64x128xf32, #tpu.memory_space<vmem_shared>>)
        tpu.yield
      }) : () -> ()
    }
    %scan3A_9 = arith.constant 10 : i32
    %barrier3A = arith.constant 0 : index
    tpu.barrier barrier_id(%barrier3A)
    "tpu.region"() ({
      %run_scoped3A = tpu.sem_alloc : memref<!tpu.dma_semaphore, #tpu.memory_space<semaphore_mem>>
      %dma_start3A = arith.constant 0 : i32
      %dma_start3A_20 = arith.constant 0 : i32
      %dma_start3A_21 = tpu.memref_slice %arg3[%add3A, %dma_start3A, %dma_start3A_20] : memref<32x157x64xi32, #tpu.memory_space<hbm>> -> memref<1x157x64xi32, #tpu.memory_space<hbm>>
      %dma_start3A_22 = tpu.memref_squeeze %dma_start3A_21 : memref<1x157x64xi32, #tpu.memory_space<hbm>> -> memref<157x64xi32, #tpu.memory_space<hbm>>
      %dma_start3A_23 = arith.constant 0 : i32
      %dma_start3A_24 = arith.constant 0 : i32
      %dma_start3A_25 = tpu.memref_slice %arg3[%add3A, %dma_start3A_23, %dma_start3A_24] : memref<32x157x64xi32, #tpu.memory_space<hbm>> -> memref<1x157x64xi32, #tpu.memory_space<hbm>>
      %dma_start3A_26 = tpu.memref_squeeze %dma_start3A_25 : memref<1x157x64xi32, #tpu.memory_space<hbm>> -> memref<157x64xi32, #tpu.memory_space<hbm>>
      tpu.enqueue_dma source(%dma_start3A_26 : memref<157x64xi32, #tpu.memory_space<hbm>>) target(%arg6 : memref<157x64xi32, #tpu.memory_space<vmem>>) target_semaphore(%run_scoped3A : memref<!tpu.dma_semaphore, #tpu.memory_space<semaphore_mem>>)
      %dma_wait3A = arith.constant 0 : i32
      %dma_wait3A_27 = arith.constant 0 : i32
      %dma_wait3A_28 = tpu.memref_slice %arg3[%add3A, %dma_wait3A, %dma_wait3A_27] : memref<32x157x64xi32, #tpu.memory_space<hbm>> -> memref<1x157x64xi32, #tpu.memory_space<hbm>>
      %dma_wait3A_29 = tpu.memref_squeeze %dma_wait3A_28 : memref<1x157x64xi32, #tpu.memory_space<hbm>> -> memref<157x64xi32, #tpu.memory_space<hbm>>
      %dma_wait3A_30 = arith.constant 0 : i32
      %dma_wait3A_31 = arith.constant 0 : i32
      %dma_wait3A_32 = tpu.memref_slice %arg3[%add3A, %dma_wait3A_30, %dma_wait3A_31] : memref<32x157x64xi32, #tpu.memory_space<hbm>> -> memref<1x157x64xi32, #tpu.memory_space<hbm>>
      %dma_wait3A_33 = tpu.memref_squeeze %dma_wait3A_32 : memref<1x157x64xi32, #tpu.memory_space<hbm>> -> memref<157x64xi32, #tpu.memory_space<hbm>>
      tpu.wait_dma2 semaphore(%run_scoped3A : memref<!tpu.dma_semaphore, #tpu.memory_space<semaphore_mem>>) src(%dma_wait3A_33 : memref<157x64xi32, #tpu.memory_space<hbm>>) dst(%arg6 : memref<157x64xi32, #tpu.memory_space<vmem>>)
      tpu.yield
    }) : () -> ()
    "tpu.region"() ({
      %run_scoped3A = tpu.sem_alloc : memref<!tpu.dma_semaphore, #tpu.memory_space<semaphore_mem>>
      %dma_start3A = arith.constant 0 : i32
      %dma_start3A_20 = arith.constant 0 : i32
      %dma_start3A_21 = tpu.memref_slice %arg4[%add3A, %dma_start3A, %dma_start3A_20] : memref<32x157x64xi32, #tpu.memory_space<hbm>> -> memref<1x157x64xi32, #tpu.memory_space<hbm>>
      %dma_start3A_22 = tpu.memref_squeeze %dma_start3A_21 : memref<1x157x64xi32, #tpu.memory_space<hbm>> -> memref<157x64xi32, #tpu.memory_space<hbm>>
      %dma_start3A_23 = arith.constant 0 : i32
      %dma_start3A_24 = arith.constant 0 : i32
      %dma_start3A_25 = tpu.memref_slice %arg4[%add3A, %dma_start3A_23, %dma_start3A_24] : memref<32x157x64xi32, #tpu.memory_space<hbm>> -> memref<1x157x64xi32, #tpu.memory_space<hbm>>
      %dma_start3A_26 = tpu.memref_squeeze %dma_start3A_25 : memref<1x157x64xi32, #tpu.memory_space<hbm>> -> memref<157x64xi32, #tpu.memory_space<hbm>>
      tpu.enqueue_dma source(%dma_start3A_26 : memref<157x64xi32, #tpu.memory_space<hbm>>) target(%arg7 : memref<157x64xi32, #tpu.memory_space<vmem>>) target_semaphore(%run_scoped3A : memref<!tpu.dma_semaphore, #tpu.memory_space<semaphore_mem>>)
      %dma_wait3A = arith.constant 0 : i32
      %dma_wait3A_27 = arith.constant 0 : i32
      %dma_wait3A_28 = tpu.memref_slice %arg4[%add3A, %dma_wait3A, %dma_wait3A_27] : memref<32x157x64xi32, #tpu.memory_space<hbm>> -> memref<1x157x64xi32, #tpu.memory_space<hbm>>
      %dma_wait3A_29 = tpu.memref_squeeze %dma_wait3A_28 : memref<1x157x64xi32, #tpu.memory_space<hbm>> -> memref<157x64xi32, #tpu.memory_space<hbm>>
      %dma_wait3A_30 = arith.constant 0 : i32
      %dma_wait3A_31 = arith.constant 0 : i32
      %dma_wait3A_32 = tpu.memref_slice %arg4[%add3A, %dma_wait3A_30, %dma_wait3A_31] : memref<32x157x64xi32, #tpu.memory_space<hbm>> -> memref<1x157x64xi32, #tpu.memory_space<hbm>>
      %dma_wait3A_33 = tpu.memref_squeeze %dma_wait3A_32 : memref<1x157x64xi32, #tpu.memory_space<hbm>> -> memref<157x64xi32, #tpu.memory_space<hbm>>
      tpu.wait_dma2 semaphore(%run_scoped3A : memref<!tpu.dma_semaphore, #tpu.memory_space<semaphore_mem>>) src(%dma_wait3A_33 : memref<157x64xi32, #tpu.memory_space<hbm>>) dst(%arg7 : memref<157x64xi32, #tpu.memory_space<vmem>>)
      tpu.yield
    }) : () -> ()
    %scan3A_10 = arith.constant 0 : i32
    %scan3A_11 = arith.constant 157 : i32
    %scan3A_12 = arith.addi %scan3A_10, %scan3A_11 : i32
    %scan3A_13 = arith.constant 1 : i32
    scf.for %scan3A_20 = %scan3A_10 to %scan3A_12 step %scan3A_13  : i32 {
      %mul3A_21 = arith.constant 1 : i32
      %mul3A_22 = arith.muli %scan3A_20, %mul3A_21 : i32
      %add3A_23 = arith.constant 0 : i32
      %add3A_24 = arith.addi %add3A_23, %mul3A_22 : i32
      %dma_start3A = arith.constant 0 : i32
      %dma_start3A_25 = tpu.memref_slice %arg6[%add3A_24, %dma_start3A] : memref<157x64xi32, #tpu.memory_space<vmem>> -> memref<1x64xi32, #tpu.memory_space<vmem>>
      %dma_start3A_26 = tpu.memref_squeeze %dma_start3A_25 : memref<1x64xi32, #tpu.memory_space<vmem>> -> memref<64xi32, #tpu.memory_space<vmem>>
      %dma_start3A_27 = arith.constant 0 : i32
      %dma_start3A_28 = arith.constant 0 : i32
      %dma_start3A_29 = tpu.memref_slice %arg2[%dma_start3A_27, %dma_start3A_28] : memref<10240x128xf32, #tpu.memory_space<hbm>> -> memref<10240x128xf32, #tpu.memory_space<hbm>>
      tpu.enqueue_indirect_dma source(%dma_start3A_29 : memref<10240x128xf32, #tpu.memory_space<hbm>>) target(%arg8 : memref<64x128xf32, #tpu.memory_space<vmem>>) offsets(%dma_start3A_26 : memref<64xi32, #tpu.memory_space<vmem>>) semaphore(%arg10 : memref<!tpu.dma_semaphore, #tpu.memory_space<semaphore_mem>>)
      %dma_wait3A = arith.constant 0 : i32
      %dma_wait3A_30 = tpu.memref_slice %arg6[%add3A_24, %dma_wait3A] : memref<157x64xi32, #tpu.memory_space<vmem>> -> memref<1x64xi32, #tpu.memory_space<vmem>>
      %dma_wait3A_31 = tpu.memref_squeeze %dma_wait3A_30 : memref<1x64xi32, #tpu.memory_space<vmem>> -> memref<64xi32, #tpu.memory_space<vmem>>
      %dma_wait3A_32 = arith.constant 0 : i32
      %dma_wait3A_33 = arith.constant 0 : i32
      %dma_wait3A_34 = tpu.memref_slice %arg2[%dma_wait3A_32, %dma_wait3A_33] : memref<10240x128xf32, #tpu.memory_space<hbm>> -> memref<10240x128xf32, #tpu.memory_space<hbm>>
      tpu.wait_indirect_dma semaphore(%arg10 : memref<!tpu.dma_semaphore, #tpu.memory_space<semaphore_mem>>) src(%dma_wait3A_34 : memref<10240x128xf32, #tpu.memory_space<hbm>>) dst(%arg8 : memref<64x128xf32, #tpu.memory_space<vmem>>)
      "tpu.region"() ({
        %run_scoped3A = tpu.sem_alloc : memref<!tpu.dma_semaphore, #tpu.memory_space<semaphore_mem>>
        %dma_start3A_35 = arith.constant 0 : i32
        %dma_start3A_36 = tpu.memref_slice %arg7[%add3A_24, %dma_start3A_35] : memref<157x64xi32, #tpu.memory_space<vmem>> -> memref<1x64xi32, #tpu.memory_space<vmem>>
        %dma_start3A_37 = tpu.memref_squeeze %dma_start3A_36 : memref<1x64xi32, #tpu.memory_space<vmem>> -> memref<64xi32, #tpu.memory_space<vmem>>
        %dma_start3A_38 = arith.constant 0 : i32
        %dma_start3A_39 = arith.constant 0 : i32
        %dma_start3A_40 = tpu.memref_slice %arg9[%dma_start3A_38, %dma_start3A_39] : memref<10240x128xf32, #tpu.memory_space<vmem_shared>> -> memref<10240x128xf32, #tpu.memory_space<vmem_shared>>
        tpu.enqueue_indirect_dma source(%arg8 : memref<64x128xf32, #tpu.memory_space<vmem>>) target(%dma_start3A_40 : memref<10240x128xf32, #tpu.memory_space<vmem_shared>>) offsets(%dma_start3A_37 : memref<64xi32, #tpu.memory_space<vmem>>) semaphore(%run_scoped3A : memref<!tpu.dma_semaphore, #tpu.memory_space<semaphore_mem>>) {add = true}
        %dma_wait3A_41 = arith.constant 0 : i32
        %dma_wait3A_42 = tpu.memref_slice %arg7[%add3A_24, %dma_wait3A_41] : memref<157x64xi32, #tpu.memory_space<vmem>> -> memref<1x64xi32, #tpu.memory_space<vmem>>
        %dma_wait3A_43 = tpu.memref_squeeze %dma_wait3A_42 : memref<1x64xi32, #tpu.memory_space<vmem>> -> memref<64xi32, #tpu.memory_space<vmem>>
        %dma_wait3A_44 = arith.constant 0 : i32
        %dma_wait3A_45 = arith.constant 0 : i32
        %dma_wait3A_46 = tpu.memref_slice %arg9[%dma_wait3A_44, %dma_wait3A_45] : memref<10240x128xf32, #tpu.memory_space<vmem_shared>> -> memref<10240x128xf32, #tpu.memory_space<vmem_shared>>
        tpu.wait_indirect_dma semaphore(%run_scoped3A : memref<!tpu.dma_semaphore, #tpu.memory_space<semaphore_mem>>) src(%arg8 : memref<64x128xf32, #tpu.memory_space<vmem>>) dst(%dma_wait3A_46 : memref<10240x128xf32, #tpu.memory_space<vmem_shared>>)
        tpu.yield
      }) : () -> ()
    }
    %scan3A_14 = arith.constant 157 : i32
    %barrier3A_15 = arith.constant 0 : index
    tpu.barrier barrier_id(%barrier3A_15)
    %mul3A_16 = arith.constant 640 : i32
    %mul3A_17 = arith.muli %arg1, %mul3A_16 : i32
    %mul3A_18 = arith.constant 640 : i32
    %mul3A_19 = arith.muli %arg1, %mul3A_18 : i32
    "tpu.region"() ({
      %run_scoped3A = tpu.sem_alloc : memref<!tpu.dma_semaphore, #tpu.memory_space<semaphore_mem>>
      %dma_start3A = arith.constant 0 : i32
      %dma_start3A_20 = tpu.memref_slice %arg5[%arg0, %mul3A_19, %dma_start3A] : memref<2x10240x128xf32, #tpu.memory_space<hbm>> -> memref<1x640x128xf32, #tpu.memory_space<hbm>>
      %dma_start3A_21 = tpu.memref_squeeze %dma_start3A_20 : memref<1x640x128xf32, #tpu.memory_space<hbm>> -> memref<640x128xf32, #tpu.memory_space<hbm>>
      %dma_start3A_22 = arith.constant 0 : i32
      %dma_start3A_23 = tpu.memref_slice %arg9[%mul3A_17, %dma_start3A_22] : memref<10240x128xf32, #tpu.memory_space<vmem_shared>> -> memref<640x128xf32, #tpu.memory_space<vmem_shared>>
      tpu.enqueue_dma source(%dma_start3A_23 : memref<640x128xf32, #tpu.memory_space<vmem_shared>>) target(%dma_start3A_21 : memref<640x128xf32, #tpu.memory_space<hbm>>) target_semaphore(%run_scoped3A : memref<!tpu.dma_semaphore, #tpu.memory_space<semaphore_mem>>)
      %dma_wait3A = arith.constant 0 : i32
      %dma_wait3A_24 = tpu.memref_slice %arg5[%arg0, %mul3A_19, %dma_wait3A] : memref<2x10240x128xf32, #tpu.memory_space<hbm>> -> memref<1x640x128xf32, #tpu.memory_space<hbm>>
      %dma_wait3A_25 = tpu.memref_squeeze %dma_wait3A_24 : memref<1x640x128xf32, #tpu.memory_space<hbm>> -> memref<640x128xf32, #tpu.memory_space<hbm>>
      %dma_wait3A_26 = arith.constant 0 : i32
      %dma_wait3A_27 = tpu.memref_slice %arg9[%mul3A_17, %dma_wait3A_26] : memref<10240x128xf32, #tpu.memory_space<vmem_shared>> -> memref<640x128xf32, #tpu.memory_space<vmem_shared>>
      tpu.wait_dma2 semaphore(%run_scoped3A : memref<!tpu.dma_semaphore, #tpu.memory_space<semaphore_mem>>) src(%dma_wait3A_27 : memref<640x128xf32, #tpu.memory_space<vmem_shared>>) dst(%dma_wait3A_25 : memref<640x128xf32, #tpu.memory_space<hbm>>)
      tpu.yield
    }) : () -> ()
    return
  }
}

#map = affine_map<(d0, d1) -> (0, 0)>
#map1 = affine_map<(d0, d1) -> (0, 0, 0)>
module attributes {stable_mosaic.version = 14 : i64} {
  func.func @_agg_body(%arg0: i32, %arg1: i32, %arg2: memref<10240x128xf32, #tpu.memory_space<hbm>>, %arg3: memref<32x157x64xi32, #tpu.memory_space<hbm>>, %arg4: memref<32x157x64xi32, #tpu.memory_space<hbm>>, %arg5: memref<2x10240x128xf32, #tpu.memory_space<hbm>>, %arg6: memref<157x64xi32, #tpu.memory_space<vmem>>, %arg7: memref<157x64xi32, #tpu.memory_space<vmem>>, %arg8: memref<64x128xf32, #tpu.memory_space<vmem>>, %arg9: memref<10240x128xf32, #tpu.memory_space<vmem_shared>>, %arg10: memref<!tpu.dma_semaphore, #tpu.memory_space<semaphore_mem>>) attributes {dimension_semantics = [#tpu.dimension_semantics<core_parallel>, #tpu.dimension_semantics<subcore_parallel>], iteration_bounds = array<i64: 2, 16>, scalar_prefetch = 0 : i64, scratch_operands = 5 : i64, tpu.core_type = #tpu.core_type<sc_vector_subcore>, window_params = [{transform_indices = #map}, {transform_indices = #map1}, {transform_indices = #map1}, {transform_indices = #map1}]} {
    %mul3A = arith.constant 16 : i32
    %mul3A_0 = arith.muli %arg0, %mul3A : i32
    %add3A = arith.addi %mul3A_0, %arg1 : i32
    %scan3A = arith.constant 0 : i32
    %scan3A_1 = arith.constant 64 : i32
    %scan3A_2 = arith.addi %scan3A, %scan3A_1 : i32
    %scan3A_3 = arith.constant 1 : i32
    scf.for %scan3A_20 = %scan3A to %scan3A_2 step %scan3A_3  : i32 {
      %mul3A_21 = arith.constant 1 : i32
      %mul3A_22 = arith.muli %scan3A_20, %mul3A_21 : i32
      %add3A_23 = arith.constant 0 : i32
      %add3A_24 = arith.addi %add3A_23, %mul3A_22 : i32
      %broadcast_in_dim3A = arith.constant 0.000000e+00 : f32
      %broadcast_in_dim3A_25 = vector.broadcast %broadcast_in_dim3A : f32 to vector<16xf32>
      %swap3A = arith.index_cast %add3A_24 : i32 to index
      %swap3A_26 = arith.constant 0 : index
      %swap3A_27 = tpu.vector_load %arg8[%swap3A, %swap3A_26] {strides = array<i32>} : memref<64x128xf32, #tpu.memory_space<vmem>>, vector<1x16xf32>,
      %swap3A_28 = vector.shape_cast %swap3A_27 : vector<1x16xf32> to vector<16xf32>
      %swap3A_29 = vector.shape_cast %broadcast_in_dim3A_25 : vector<16xf32> to vector<1x16xf32>
      tpu.vector_store %arg8[%swap3A, %swap3A_26], %swap3A_29 {strides = array<i32>} : memref<64x128xf32, #tpu.memory_space<vmem>>, vector<1x16xf32>,
      %broadcast_in_dim3A_30 = arith.constant 0.000000e+00 : f32
      %broadcast_in_dim3A_31 = vector.broadcast %broadcast_in_dim3A_30 : f32 to vector<16xf32>
      %swap3A_32 = arith.index_cast %add3A_24 : i32 to index
      %swap3A_33 = arith.constant 16 : index
      %swap3A_34 = tpu.vector_load %arg8[%swap3A_32, %swap3A_33] {strides = array<i32>} : memref<64x128xf32, #tpu.memory_space<vmem>>, vector<1x16xf32>,
      %swap3A_35 = vector.shape_cast %swap3A_34 : vector<1x16xf32> to vector<16xf32>
      %swap3A_36 = vector.shape_cast %broadcast_in_dim3A_31 : vector<16xf32> to vector<1x16xf32>
      tpu.vector_store %arg8[%swap3A_32, %swap3A_33], %swap3A_36 {strides = array<i32>} : memref<64x128xf32, #tpu.memory_space<vmem>>, vector<1x16xf32>,
      %broadcast_in_dim3A_37 = arith.constant 0.000000e+00 : f32
      %broadcast_in_dim3A_38 = vector.broadcast %broadcast_in_dim3A_37 : f32 to vector<16xf32>
      %swap3A_39 = arith.index_cast %add3A_24 : i32 to index
      %swap3A_40 = arith.constant 32 : index
      %swap3A_41 = tpu.vector_load %arg8[%swap3A_39, %swap3A_40] {strides = array<i32>} : memref<64x128xf32, #tpu.memory_space<vmem>>, vector<1x16xf32>,
      %swap3A_42 = vector.shape_cast %swap3A_41 : vector<1x16xf32> to vector<16xf32>
      %swap3A_43 = vector.shape_cast %broadcast_in_dim3A_38 : vector<16xf32> to vector<1x16xf32>
      tpu.vector_store %arg8[%swap3A_39, %swap3A_40], %swap3A_43 {strides = array<i32>} : memref<64x128xf32, #tpu.memory_space<vmem>>, vector<1x16xf32>,
      %broadcast_in_dim3A_44 = arith.constant 0.000000e+00 : f32
      %broadcast_in_dim3A_45 = vector.broadcast %broadcast_in_dim3A_44 : f32 to vector<16xf32>
      %swap3A_46 = arith.index_cast %add3A_24 : i32 to index
      %swap3A_47 = arith.constant 48 : index
      %swap3A_48 = tpu.vector_load %arg8[%swap3A_46, %swap3A_47] {strides = array<i32>} : memref<64x128xf32, #tpu.memory_space<vmem>>, vector<1x16xf32>,
      %swap3A_49 = vector.shape_cast %swap3A_48 : vector<1x16xf32> to vector<16xf32>
      %swap3A_50 = vector.shape_cast %broadcast_in_dim3A_45 : vector<16xf32> to vector<1x16xf32>
      tpu.vector_store %arg8[%swap3A_46, %swap3A_47], %swap3A_50 {strides = array<i32>} : memref<64x128xf32, #tpu.memory_space<vmem>>, vector<1x16xf32>,
      %broadcast_in_dim3A_51 = arith.constant 0.000000e+00 : f32
      %broadcast_in_dim3A_52 = vector.broadcast %broadcast_in_dim3A_51 : f32 to vector<16xf32>
      %swap3A_53 = arith.index_cast %add3A_24 : i32 to index
      %swap3A_54 = arith.constant 64 : index
      %swap3A_55 = tpu.vector_load %arg8[%swap3A_53, %swap3A_54] {strides = array<i32>} : memref<64x128xf32, #tpu.memory_space<vmem>>, vector<1x16xf32>,
      %swap3A_56 = vector.shape_cast %swap3A_55 : vector<1x16xf32> to vector<16xf32>
      %swap3A_57 = vector.shape_cast %broadcast_in_dim3A_52 : vector<16xf32> to vector<1x16xf32>
      tpu.vector_store %arg8[%swap3A_53, %swap3A_54], %swap3A_57 {strides = array<i32>} : memref<64x128xf32, #tpu.memory_space<vmem>>, vector<1x16xf32>,
      %broadcast_in_dim3A_58 = arith.constant 0.000000e+00 : f32
      %broadcast_in_dim3A_59 = vector.broadcast %broadcast_in_dim3A_58 : f32 to vector<16xf32>
      %swap3A_60 = arith.index_cast %add3A_24 : i32 to index
      %swap3A_61 = arith.constant 80 : index
      %swap3A_62 = tpu.vector_load %arg8[%swap3A_60, %swap3A_61] {strides = array<i32>} : memref<64x128xf32, #tpu.memory_space<vmem>>, vector<1x16xf32>,
      %swap3A_63 = vector.shape_cast %swap3A_62 : vector<1x16xf32> to vector<16xf32>
      %swap3A_64 = vector.shape_cast %broadcast_in_dim3A_59 : vector<16xf32> to vector<1x16xf32>
      tpu.vector_store %arg8[%swap3A_60, %swap3A_61], %swap3A_64 {strides = array<i32>} : memref<64x128xf32, #tpu.memory_space<vmem>>, vector<1x16xf32>,
      %broadcast_in_dim3A_65 = arith.constant 0.000000e+00 : f32
      %broadcast_in_dim3A_66 = vector.broadcast %broadcast_in_dim3A_65 : f32 to vector<16xf32>
      %swap3A_67 = arith.index_cast %add3A_24 : i32 to index
      %swap3A_68 = arith.constant 96 : index
      %swap3A_69 = tpu.vector_load %arg8[%swap3A_67, %swap3A_68] {strides = array<i32>} : memref<64x128xf32, #tpu.memory_space<vmem>>, vector<1x16xf32>,
      %swap3A_70 = vector.shape_cast %swap3A_69 : vector<1x16xf32> to vector<16xf32>
      %swap3A_71 = vector.shape_cast %broadcast_in_dim3A_66 : vector<16xf32> to vector<1x16xf32>
      tpu.vector_store %arg8[%swap3A_67, %swap3A_68], %swap3A_71 {strides = array<i32>} : memref<64x128xf32, #tpu.memory_space<vmem>>, vector<1x16xf32>,
      %broadcast_in_dim3A_72 = arith.constant 0.000000e+00 : f32
      %broadcast_in_dim3A_73 = vector.broadcast %broadcast_in_dim3A_72 : f32 to vector<16xf32>
      %swap3A_74 = arith.index_cast %add3A_24 : i32 to index
      %swap3A_75 = arith.constant 112 : index
      %swap3A_76 = tpu.vector_load %arg8[%swap3A_74, %swap3A_75] {strides = array<i32>} : memref<64x128xf32, #tpu.memory_space<vmem>>, vector<1x16xf32>,
      %swap3A_77 = vector.shape_cast %swap3A_76 : vector<1x16xf32> to vector<16xf32>
      %swap3A_78 = vector.shape_cast %broadcast_in_dim3A_73 : vector<16xf32> to vector<1x16xf32>
      tpu.vector_store %arg8[%swap3A_74, %swap3A_75], %swap3A_78 {strides = array<i32>} : memref<64x128xf32, #tpu.memory_space<vmem>>, vector<1x16xf32>,
    }
    %scan3A_4 = arith.constant 64 : i32
    %scan3A_5 = arith.constant 0 : i32
    %scan3A_6 = arith.constant 10 : i32
    %scan3A_7 = arith.addi %scan3A_5, %scan3A_6 : i32
    %scan3A_8 = arith.constant 1 : i32
    scf.for %scan3A_20 = %scan3A_5 to %scan3A_7 step %scan3A_8  : i32 {
      %mul3A_21 = arith.constant 1 : i32
      %mul3A_22 = arith.muli %scan3A_20, %mul3A_21 : i32
      %add3A_23 = arith.constant 0 : i32
      %add3A_24 = arith.addi %add3A_23, %mul3A_22 : i32
      %mul3A_25 = arith.constant 640 : i32
      %mul3A_26 = arith.muli %arg1, %mul3A_25 : i32
      %mul3A_27 = arith.constant 64 : i32
      %mul3A_28 = arith.muli %add3A_24, %mul3A_27 : i32
      %add3A_29 = arith.addi %mul3A_26, %mul3A_28 : i32
      "tpu.region"() ({
        %run_scoped3A = tpu.sem_alloc : memref<!tpu.dma_semaphore, #tpu.memory_space<semaphore_mem>>
        %dma_start3A = arith.constant 0 : i32
        %dma_start3A_30 = tpu.memref_slice %arg9[%add3A_29, %dma_start3A] : memref<10240x128xf32, #tpu.memory_space<vmem_shared>> -> memref<64x128xf32, #tpu.memory_space<vmem_shared>>
        %dma_start3A_31 = arith.constant 0 : i32
        %dma_start3A_32 = tpu.memref_slice %arg9[%add3A_29, %dma_start3A_31] : memref<10240x128xf32, #tpu.memory_space<vmem_shared>> -> memref<64x128xf32, #tpu.memory_space<vmem_shared>>
        tpu.enqueue_dma source(%arg8 : memref<64x128xf32, #tpu.memory_space<vmem>>) target(%dma_start3A_32 : memref<64x128xf32, #tpu.memory_space<vmem_shared>>) target_semaphore(%run_scoped3A : memref<!tpu.dma_semaphore, #tpu.memory_space<semaphore_mem>>)
        %dma_wait3A = arith.constant 0 : i32
        %dma_wait3A_33 = tpu.memref_slice %arg9[%add3A_29, %dma_wait3A] : memref<10240x128xf32, #tpu.memory_space<vmem_shared>> -> memref<64x128xf32, #tpu.memory_space<vmem_shared>>
        %dma_wait3A_34 = arith.constant 0 : i32
        %dma_wait3A_35 = tpu.memref_slice %arg9[%add3A_29, %dma_wait3A_34] : memref<10240x128xf32, #tpu.memory_space<vmem_shared>> -> memref<64x128xf32, #tpu.memory_space<vmem_shared>>
        tpu.wait_dma2 semaphore(%run_scoped3A : memref<!tpu.dma_semaphore, #tpu.memory_space<semaphore_mem>>) src(%arg8 : memref<64x128xf32, #tpu.memory_space<vmem>>) dst(%dma_wait3A_35 : memref<64x128xf32, #tpu.memory_space<vmem_shared>>)
        tpu.yield
      }) : () -> ()
    }
    %scan3A_9 = arith.constant 10 : i32
    %barrier3A = arith.constant 0 : index
    tpu.barrier barrier_id(%barrier3A)
    "tpu.region"() ({
      %run_scoped3A = tpu.sem_alloc : memref<!tpu.dma_semaphore, #tpu.memory_space<semaphore_mem>>
      %dma_start3A = arith.constant 0 : i32
      %dma_start3A_20 = arith.constant 0 : i32
      %dma_start3A_21 = tpu.memref_slice %arg3[%add3A, %dma_start3A, %dma_start3A_20] : memref<32x157x64xi32, #tpu.memory_space<hbm>> -> memref<1x157x64xi32, #tpu.memory_space<hbm>>
      %dma_start3A_22 = tpu.memref_squeeze %dma_start3A_21 : memref<1x157x64xi32, #tpu.memory_space<hbm>> -> memref<157x64xi32, #tpu.memory_space<hbm>>
      %dma_start3A_23 = arith.constant 0 : i32
      %dma_start3A_24 = arith.constant 0 : i32
      %dma_start3A_25 = tpu.memref_slice %arg3[%add3A, %dma_start3A_23, %dma_start3A_24] : memref<32x157x64xi32, #tpu.memory_space<hbm>> -> memref<1x157x64xi32, #tpu.memory_space<hbm>>
      %dma_start3A_26 = tpu.memref_squeeze %dma_start3A_25 : memref<1x157x64xi32, #tpu.memory_space<hbm>> -> memref<157x64xi32, #tpu.memory_space<hbm>>
      tpu.enqueue_dma source(%dma_start3A_26 : memref<157x64xi32, #tpu.memory_space<hbm>>) target(%arg6 : memref<157x64xi32, #tpu.memory_space<vmem>>) target_semaphore(%run_scoped3A : memref<!tpu.dma_semaphore, #tpu.memory_space<semaphore_mem>>)
      %dma_wait3A = arith.constant 0 : i32
      %dma_wait3A_27 = arith.constant 0 : i32
      %dma_wait3A_28 = tpu.memref_slice %arg3[%add3A, %dma_wait3A, %dma_wait3A_27] : memref<32x157x64xi32, #tpu.memory_space<hbm>> -> memref<1x157x64xi32, #tpu.memory_space<hbm>>
      %dma_wait3A_29 = tpu.memref_squeeze %dma_wait3A_28 : memref<1x157x64xi32, #tpu.memory_space<hbm>> -> memref<157x64xi32, #tpu.memory_space<hbm>>
      %dma_wait3A_30 = arith.constant 0 : i32
      %dma_wait3A_31 = arith.constant 0 : i32
      %dma_wait3A_32 = tpu.memref_slice %arg3[%add3A, %dma_wait3A_30, %dma_wait3A_31] : memref<32x157x64xi32, #tpu.memory_space<hbm>> -> memref<1x157x64xi32, #tpu.memory_space<hbm>>
      %dma_wait3A_33 = tpu.memref_squeeze %dma_wait3A_32 : memref<1x157x64xi32, #tpu.memory_space<hbm>> -> memref<157x64xi32, #tpu.memory_space<hbm>>
      tpu.wait_dma2 semaphore(%run_scoped3A : memref<!tpu.dma_semaphore, #tpu.memory_space<semaphore_mem>>) src(%dma_wait3A_33 : memref<157x64xi32, #tpu.memory_space<hbm>>) dst(%arg6 : memref<157x64xi32, #tpu.memory_space<vmem>>)
      tpu.yield
    }) : () -> ()
    "tpu.region"() ({
      %run_scoped3A = tpu.sem_alloc : memref<!tpu.dma_semaphore, #tpu.memory_space<semaphore_mem>>
      %dma_start3A = arith.constant 0 : i32
      %dma_start3A_20 = arith.constant 0 : i32
      %dma_start3A_21 = tpu.memref_slice %arg4[%add3A, %dma_start3A, %dma_start3A_20] : memref<32x157x64xi32, #tpu.memory_space<hbm>> -> memref<1x157x64xi32, #tpu.memory_space<hbm>>
      %dma_start3A_22 = tpu.memref_squeeze %dma_start3A_21 : memref<1x157x64xi32, #tpu.memory_space<hbm>> -> memref<157x64xi32, #tpu.memory_space<hbm>>
      %dma_start3A_23 = arith.constant 0 : i32
      %dma_start3A_24 = arith.constant 0 : i32
      %dma_start3A_25 = tpu.memref_slice %arg4[%add3A, %dma_start3A_23, %dma_start3A_24] : memref<32x157x64xi32, #tpu.memory_space<hbm>> -> memref<1x157x64xi32, #tpu.memory_space<hbm>>
      %dma_start3A_26 = tpu.memref_squeeze %dma_start3A_25 : memref<1x157x64xi32, #tpu.memory_space<hbm>> -> memref<157x64xi32, #tpu.memory_space<hbm>>
      tpu.enqueue_dma source(%dma_start3A_26 : memref<157x64xi32, #tpu.memory_space<hbm>>) target(%arg7 : memref<157x64xi32, #tpu.memory_space<vmem>>) target_semaphore(%run_scoped3A : memref<!tpu.dma_semaphore, #tpu.memory_space<semaphore_mem>>)
      %dma_wait3A = arith.constant 0 : i32
      %dma_wait3A_27 = arith.constant 0 : i32
      %dma_wait3A_28 = tpu.memref_slice %arg4[%add3A, %dma_wait3A, %dma_wait3A_27] : memref<32x157x64xi32, #tpu.memory_space<hbm>> -> memref<1x157x64xi32, #tpu.memory_space<hbm>>
      %dma_wait3A_29 = tpu.memref_squeeze %dma_wait3A_28 : memref<1x157x64xi32, #tpu.memory_space<hbm>> -> memref<157x64xi32, #tpu.memory_space<hbm>>
      %dma_wait3A_30 = arith.constant 0 : i32
      %dma_wait3A_31 = arith.constant 0 : i32
      %dma_wait3A_32 = tpu.memref_slice %arg4[%add3A, %dma_wait3A_30, %dma_wait3A_31] : memref<32x157x64xi32, #tpu.memory_space<hbm>> -> memref<1x157x64xi32, #tpu.memory_space<hbm>>
      %dma_wait3A_33 = tpu.memref_squeeze %dma_wait3A_32 : memref<1x157x64xi32, #tpu.memory_space<hbm>> -> memref<157x64xi32, #tpu.memory_space<hbm>>
      tpu.wait_dma2 semaphore(%run_scoped3A : memref<!tpu.dma_semaphore, #tpu.memory_space<semaphore_mem>>) src(%dma_wait3A_33 : memref<157x64xi32, #tpu.memory_space<hbm>>) dst(%arg7 : memref<157x64xi32, #tpu.memory_space<vmem>>)
      tpu.yield
    }) : () -> ()
    %scan3A_10 = arith.constant 0 : i32
    %scan3A_11 = arith.constant 157 : i32
    %scan3A_12 = arith.addi %scan3A_10, %scan3A_11 : i32
    %scan3A_13 = arith.constant 1 : i32
    scf.for %scan3A_20 = %scan3A_10 to %scan3A_12 step %scan3A_13  : i32 {
      %mul3A_21 = arith.constant 1 : i32
      %mul3A_22 = arith.muli %scan3A_20, %mul3A_21 : i32
      %add3A_23 = arith.constant 0 : i32
      %add3A_24 = arith.addi %add3A_23, %mul3A_22 : i32
      %dma_start3A = arith.constant 0 : i32
      %dma_start3A_25 = tpu.memref_slice %arg6[%add3A_24, %dma_start3A] : memref<157x64xi32, #tpu.memory_space<vmem>> -> memref<1x64xi32, #tpu.memory_space<vmem>>
      %dma_start3A_26 = tpu.memref_squeeze %dma_start3A_25 : memref<1x64xi32, #tpu.memory_space<vmem>> -> memref<64xi32, #tpu.memory_space<vmem>>
      %dma_start3A_27 = arith.constant 0 : i32
      %dma_start3A_28 = arith.constant 0 : i32
      %dma_start3A_29 = tpu.memref_slice %arg2[%dma_start3A_27, %dma_start3A_28] : memref<10240x128xf32, #tpu.memory_space<hbm>> -> memref<10240x128xf32, #tpu.memory_space<hbm>>
      tpu.enqueue_indirect_dma source(%dma_start3A_29 : memref<10240x128xf32, #tpu.memory_space<hbm>>) target(%arg8 : memref<64x128xf32, #tpu.memory_space<vmem>>) offsets(%dma_start3A_26 : memref<64xi32, #tpu.memory_space<vmem>>) semaphore(%arg10 : memref<!tpu.dma_semaphore, #tpu.memory_space<semaphore_mem>>)
      %dma_wait3A = arith.constant 0 : i32
      %dma_wait3A_30 = tpu.memref_slice %arg6[%add3A_24, %dma_wait3A] : memref<157x64xi32, #tpu.memory_space<vmem>> -> memref<1x64xi32, #tpu.memory_space<vmem>>
      %dma_wait3A_31 = tpu.memref_squeeze %dma_wait3A_30 : memref<1x64xi32, #tpu.memory_space<vmem>> -> memref<64xi32, #tpu.memory_space<vmem>>
      %dma_wait3A_32 = arith.constant 0 : i32
      %dma_wait3A_33 = arith.constant 0 : i32
      %dma_wait3A_34 = tpu.memref_slice %arg2[%dma_wait3A_32, %dma_wait3A_33] : memref<10240x128xf32, #tpu.memory_space<hbm>> -> memref<10240x128xf32, #tpu.memory_space<hbm>>
      tpu.wait_indirect_dma semaphore(%arg10 : memref<!tpu.dma_semaphore, #tpu.memory_space<semaphore_mem>>) src(%dma_wait3A_34 : memref<10240x128xf32, #tpu.memory_space<hbm>>) dst(%arg8 : memref<64x128xf32, #tpu.memory_space<vmem>>)
      "tpu.region"() ({
        %run_scoped3A = tpu.sem_alloc : memref<!tpu.dma_semaphore, #tpu.memory_space<semaphore_mem>>
        %dma_start3A_35 = arith.constant 0 : i32
        %dma_start3A_36 = tpu.memref_slice %arg7[%add3A_24, %dma_start3A_35] : memref<157x64xi32, #tpu.memory_space<vmem>> -> memref<1x64xi32, #tpu.memory_space<vmem>>
        %dma_start3A_37 = tpu.memref_squeeze %dma_start3A_36 : memref<1x64xi32, #tpu.memory_space<vmem>> -> memref<64xi32, #tpu.memory_space<vmem>>
        %dma_start3A_38 = arith.constant 0 : i32
        %dma_start3A_39 = arith.constant 0 : i32
        %dma_start3A_40 = tpu.memref_slice %arg9[%dma_start3A_38, %dma_start3A_39] : memref<10240x128xf32, #tpu.memory_space<vmem_shared>> -> memref<10240x128xf32, #tpu.memory_space<vmem_shared>>
        tpu.enqueue_indirect_dma source(%arg8 : memref<64x128xf32, #tpu.memory_space<vmem>>) target(%dma_start3A_40 : memref<10240x128xf32, #tpu.memory_space<vmem_shared>>) offsets(%dma_start3A_37 : memref<64xi32, #tpu.memory_space<vmem>>) semaphore(%run_scoped3A : memref<!tpu.dma_semaphore, #tpu.memory_space<semaphore_mem>>) {add = true}
        %dma_wait3A_41 = arith.constant 0 : i32
        %dma_wait3A_42 = tpu.memref_slice %arg7[%add3A_24, %dma_wait3A_41] : memref<157x64xi32, #tpu.memory_space<vmem>> -> memref<1x64xi32, #tpu.memory_space<vmem>>
        %dma_wait3A_43 = tpu.memref_squeeze %dma_wait3A_42 : memref<1x64xi32, #tpu.memory_space<vmem>> -> memref<64xi32, #tpu.memory_space<vmem>>
        %dma_wait3A_44 = arith.constant 0 : i32
        %dma_wait3A_45 = arith.constant 0 : i32
        %dma_wait3A_46 = tpu.memref_slice %arg9[%dma_wait3A_44, %dma_wait3A_45] : memref<10240x128xf32, #tpu.memory_space<vmem_shared>> -> memref<10240x128xf32, #tpu.memory_space<vmem_shared>>
        tpu.wait_indirect_dma semaphore(%run_scoped3A : memref<!tpu.dma_semaphore, #tpu.memory_space<semaphore_mem>>) src(%arg8 : memref<64x128xf32, #tpu.memory_space<vmem>>) dst(%dma_wait3A_46 : memref<10240x128xf32, #tpu.memory_space<vmem_shared>>)
        tpu.yield
      }) : () -> ()
    }
    %scan3A_14 = arith.constant 157 : i32
    %barrier3A_15 = arith.constant 0 : index
    tpu.barrier barrier_id(%barrier3A_15)
    %mul3A_16 = arith.constant 640 : i32
    %mul3A_17 = arith.muli %arg1, %mul3A_16 : i32
    %mul3A_18 = arith.constant 640 : i32
    %mul3A_19 = arith.muli %arg1, %mul3A_18 : i32
    "tpu.region"() ({
      %run_scoped3A = tpu.sem_alloc : memref<!tpu.dma_semaphore, #tpu.memory_space<semaphore_mem>>
      %dma_start3A = arith.constant 0 : i32
      %dma_start3A_20 = tpu.memref_slice %arg5[%arg0, %mul3A_19, %dma_start3A] : memref<2x10240x128xf32, #tpu.memory_space<hbm>> -> memref<1x640x128xf32, #tpu.memory_space<hbm>>
      %dma_start3A_21 = tpu.memref_squeeze %dma_start3A_20 : memref<1x640x128xf32, #tpu.memory_space<hbm>> -> memref<640x128xf32, #tpu.memory_space<hbm>>
      %dma_start3A_22 = arith.constant 0 : i32
      %dma_start3A_23 = tpu.memref_slice %arg9[%mul3A_17, %dma_start3A_22] : memref<10240x128xf32, #tpu.memory_space<vmem_shared>> -> memref<640x128xf32, #tpu.memory_space<vmem_shared>>
      tpu.enqueue_dma source(%dma_start3A_23 : memref<640x128xf32, #tpu.memory_space<vmem_shared>>) target(%dma_start3A_21 : memref<640x128xf32, #tpu.memory_space<hbm>>) target_semaphore(%run_scoped3A : memref<!tpu.dma_semaphore, #tpu.memory_space<semaphore_mem>>)
      %dma_wait3A = arith.constant 0 : i32
      %dma_wait3A_24 = tpu.memref_slice %arg5[%arg0, %mul3A_19, %dma_wait3A] : memref<2x10240x128xf32, #tpu.memory_space<hbm>> -> memref<1x640x128xf32, #tpu.memory_space<hbm>>
      %dma_wait3A_25 = tpu.memref_squeeze %dma_wait3A_24 : memref<1x640x128xf32, #tpu.memory_space<hbm>> -> memref<640x128xf32, #tpu.memory_space<hbm>>
      %dma_wait3A_26 = arith.constant 0 : i32
      %dma_wait3A_27 = tpu.memref_slice %arg9[%mul3A_17, %dma_wait3A_26] : memref<10240x128xf32, #tpu.memory_space<vmem_shared>> -> memref<640x128xf32, #tpu.memory_space<vmem_shared>>
      tpu.wait_dma2 semaphore(%run_scoped3A : memref<!tpu.dma_semaphore, #tpu.memory_space<semaphore_mem>>) src(%dma_wait3A_27 : memref<640x128xf32, #tpu.memory_space<vmem_shared>>) dst(%dma_wait3A_25 : memref<640x128xf32, #tpu.memory_space<hbm>>)
      tpu.yield
    }) : () -> ()
    return
  }
}

#map = affine_map<(d0, d1) -> (0, 0)>
#map1 = affine_map<(d0, d1) -> (0, 0, 0)>
module attributes {stable_mosaic.version = 14 : i64} {
  func.func @_agg_body(%arg0: i32, %arg1: i32, %arg2: memref<10240x128xf32, #tpu.memory_space<hbm>>, %arg3: memref<32x157x64xi32, #tpu.memory_space<hbm>>, %arg4: memref<32x157x64xi32, #tpu.memory_space<hbm>>, %arg5: memref<2x10240x128xf32, #tpu.memory_space<hbm>>, %arg6: memref<157x64xi32, #tpu.memory_space<vmem>>, %arg7: memref<157x64xi32, #tpu.memory_space<vmem>>, %arg8: memref<64x128xf32, #tpu.memory_space<vmem>>, %arg9: memref<10240x128xf32, #tpu.memory_space<vmem_shared>>, %arg10: memref<!tpu.dma_semaphore, #tpu.memory_space<semaphore_mem>>) attributes {dimension_semantics = [#tpu.dimension_semantics<core_parallel>, #tpu.dimension_semantics<subcore_parallel>], iteration_bounds = array<i64: 2, 16>, scalar_prefetch = 0 : i64, scratch_operands = 5 : i64, tpu.core_type = #tpu.core_type<sc_vector_subcore>, window_params = [{transform_indices = #map}, {transform_indices = #map1}, {transform_indices = #map1}, {transform_indices = #map1}]} {
    %mul3A = arith.constant 16 : i32
    %mul3A_0 = arith.muli %arg0, %mul3A : i32
    %add3A = arith.addi %mul3A_0, %arg1 : i32
    %scan3A = arith.constant 0 : i32
    %scan3A_1 = arith.constant 64 : i32
    %scan3A_2 = arith.addi %scan3A, %scan3A_1 : i32
    %scan3A_3 = arith.constant 1 : i32
    scf.for %scan3A_20 = %scan3A to %scan3A_2 step %scan3A_3  : i32 {
      %mul3A_21 = arith.constant 1 : i32
      %mul3A_22 = arith.muli %scan3A_20, %mul3A_21 : i32
      %add3A_23 = arith.constant 0 : i32
      %add3A_24 = arith.addi %add3A_23, %mul3A_22 : i32
      %broadcast_in_dim3A = arith.constant 0.000000e+00 : f32
      %broadcast_in_dim3A_25 = vector.broadcast %broadcast_in_dim3A : f32 to vector<16xf32>
      %swap3A = arith.index_cast %add3A_24 : i32 to index
      %swap3A_26 = arith.constant 0 : index
      %swap3A_27 = tpu.vector_load %arg8[%swap3A, %swap3A_26] {strides = array<i32>} : memref<64x128xf32, #tpu.memory_space<vmem>>, vector<1x16xf32>,
      %swap3A_28 = vector.shape_cast %swap3A_27 : vector<1x16xf32> to vector<16xf32>
      %swap3A_29 = vector.shape_cast %broadcast_in_dim3A_25 : vector<16xf32> to vector<1x16xf32>
      tpu.vector_store %arg8[%swap3A, %swap3A_26], %swap3A_29 {strides = array<i32>} : memref<64x128xf32, #tpu.memory_space<vmem>>, vector<1x16xf32>,
      %broadcast_in_dim3A_30 = arith.constant 0.000000e+00 : f32
      %broadcast_in_dim3A_31 = vector.broadcast %broadcast_in_dim3A_30 : f32 to vector<16xf32>
      %swap3A_32 = arith.index_cast %add3A_24 : i32 to index
      %swap3A_33 = arith.constant 16 : index
      %swap3A_34 = tpu.vector_load %arg8[%swap3A_32, %swap3A_33] {strides = array<i32>} : memref<64x128xf32, #tpu.memory_space<vmem>>, vector<1x16xf32>,
      %swap3A_35 = vector.shape_cast %swap3A_34 : vector<1x16xf32> to vector<16xf32>
      %swap3A_36 = vector.shape_cast %broadcast_in_dim3A_31 : vector<16xf32> to vector<1x16xf32>
      tpu.vector_store %arg8[%swap3A_32, %swap3A_33], %swap3A_36 {strides = array<i32>} : memref<64x128xf32, #tpu.memory_space<vmem>>, vector<1x16xf32>,
      %broadcast_in_dim3A_37 = arith.constant 0.000000e+00 : f32
      %broadcast_in_dim3A_38 = vector.broadcast %broadcast_in_dim3A_37 : f32 to vector<16xf32>
      %swap3A_39 = arith.index_cast %add3A_24 : i32 to index
      %swap3A_40 = arith.constant 32 : index
      %swap3A_41 = tpu.vector_load %arg8[%swap3A_39, %swap3A_40] {strides = array<i32>} : memref<64x128xf32, #tpu.memory_space<vmem>>, vector<1x16xf32>,
      %swap3A_42 = vector.shape_cast %swap3A_41 : vector<1x16xf32> to vector<16xf32>
      %swap3A_43 = vector.shape_cast %broadcast_in_dim3A_38 : vector<16xf32> to vector<1x16xf32>
      tpu.vector_store %arg8[%swap3A_39, %swap3A_40], %swap3A_43 {strides = array<i32>} : memref<64x128xf32, #tpu.memory_space<vmem>>, vector<1x16xf32>,
      %broadcast_in_dim3A_44 = arith.constant 0.000000e+00 : f32
      %broadcast_in_dim3A_45 = vector.broadcast %broadcast_in_dim3A_44 : f32 to vector<16xf32>
      %swap3A_46 = arith.index_cast %add3A_24 : i32 to index
      %swap3A_47 = arith.constant 48 : index
      %swap3A_48 = tpu.vector_load %arg8[%swap3A_46, %swap3A_47] {strides = array<i32>} : memref<64x128xf32, #tpu.memory_space<vmem>>, vector<1x16xf32>,
      %swap3A_49 = vector.shape_cast %swap3A_48 : vector<1x16xf32> to vector<16xf32>
      %swap3A_50 = vector.shape_cast %broadcast_in_dim3A_45 : vector<16xf32> to vector<1x16xf32>
      tpu.vector_store %arg8[%swap3A_46, %swap3A_47], %swap3A_50 {strides = array<i32>} : memref<64x128xf32, #tpu.memory_space<vmem>>, vector<1x16xf32>,
      %broadcast_in_dim3A_51 = arith.constant 0.000000e+00 : f32
      %broadcast_in_dim3A_52 = vector.broadcast %broadcast_in_dim3A_51 : f32 to vector<16xf32>
      %swap3A_53 = arith.index_cast %add3A_24 : i32 to index
      %swap3A_54 = arith.constant 64 : index
      %swap3A_55 = tpu.vector_load %arg8[%swap3A_53, %swap3A_54] {strides = array<i32>} : memref<64x128xf32, #tpu.memory_space<vmem>>, vector<1x16xf32>,
      %swap3A_56 = vector.shape_cast %swap3A_55 : vector<1x16xf32> to vector<16xf32>
      %swap3A_57 = vector.shape_cast %broadcast_in_dim3A_52 : vector<16xf32> to vector<1x16xf32>
      tpu.vector_store %arg8[%swap3A_53, %swap3A_54], %swap3A_57 {strides = array<i32>} : memref<64x128xf32, #tpu.memory_space<vmem>>, vector<1x16xf32>,
      %broadcast_in_dim3A_58 = arith.constant 0.000000e+00 : f32
      %broadcast_in_dim3A_59 = vector.broadcast %broadcast_in_dim3A_58 : f32 to vector<16xf32>
      %swap3A_60 = arith.index_cast %add3A_24 : i32 to index
      %swap3A_61 = arith.constant 80 : index
      %swap3A_62 = tpu.vector_load %arg8[%swap3A_60, %swap3A_61] {strides = array<i32>} : memref<64x128xf32, #tpu.memory_space<vmem>>, vector<1x16xf32>,
      %swap3A_63 = vector.shape_cast %swap3A_62 : vector<1x16xf32> to vector<16xf32>
      %swap3A_64 = vector.shape_cast %broadcast_in_dim3A_59 : vector<16xf32> to vector<1x16xf32>
      tpu.vector_store %arg8[%swap3A_60, %swap3A_61], %swap3A_64 {strides = array<i32>} : memref<64x128xf32, #tpu.memory_space<vmem>>, vector<1x16xf32>,
      %broadcast_in_dim3A_65 = arith.constant 0.000000e+00 : f32
      %broadcast_in_dim3A_66 = vector.broadcast %broadcast_in_dim3A_65 : f32 to vector<16xf32>
      %swap3A_67 = arith.index_cast %add3A_24 : i32 to index
      %swap3A_68 = arith.constant 96 : index
      %swap3A_69 = tpu.vector_load %arg8[%swap3A_67, %swap3A_68] {strides = array<i32>} : memref<64x128xf32, #tpu.memory_space<vmem>>, vector<1x16xf32>,
      %swap3A_70 = vector.shape_cast %swap3A_69 : vector<1x16xf32> to vector<16xf32>
      %swap3A_71 = vector.shape_cast %broadcast_in_dim3A_66 : vector<16xf32> to vector<1x16xf32>
      tpu.vector_store %arg8[%swap3A_67, %swap3A_68], %swap3A_71 {strides = array<i32>} : memref<64x128xf32, #tpu.memory_space<vmem>>, vector<1x16xf32>,
      %broadcast_in_dim3A_72 = arith.constant 0.000000e+00 : f32
      %broadcast_in_dim3A_73 = vector.broadcast %broadcast_in_dim3A_72 : f32 to vector<16xf32>
      %swap3A_74 = arith.index_cast %add3A_24 : i32 to index
      %swap3A_75 = arith.constant 112 : index
      %swap3A_76 = tpu.vector_load %arg8[%swap3A_74, %swap3A_75] {strides = array<i32>} : memref<64x128xf32, #tpu.memory_space<vmem>>, vector<1x16xf32>,
      %swap3A_77 = vector.shape_cast %swap3A_76 : vector<1x16xf32> to vector<16xf32>
      %swap3A_78 = vector.shape_cast %broadcast_in_dim3A_73 : vector<16xf32> to vector<1x16xf32>
      tpu.vector_store %arg8[%swap3A_74, %swap3A_75], %swap3A_78 {strides = array<i32>} : memref<64x128xf32, #tpu.memory_space<vmem>>, vector<1x16xf32>,
    }
    %scan3A_4 = arith.constant 64 : i32
    %scan3A_5 = arith.constant 0 : i32
    %scan3A_6 = arith.constant 10 : i32
    %scan3A_7 = arith.addi %scan3A_5, %scan3A_6 : i32
    %scan3A_8 = arith.constant 1 : i32
    scf.for %scan3A_20 = %scan3A_5 to %scan3A_7 step %scan3A_8  : i32 {
      %mul3A_21 = arith.constant 1 : i32
      %mul3A_22 = arith.muli %scan3A_20, %mul3A_21 : i32
      %add3A_23 = arith.constant 0 : i32
      %add3A_24 = arith.addi %add3A_23, %mul3A_22 : i32
      %mul3A_25 = arith.constant 640 : i32
      %mul3A_26 = arith.muli %arg1, %mul3A_25 : i32
      %mul3A_27 = arith.constant 64 : i32
      %mul3A_28 = arith.muli %add3A_24, %mul3A_27 : i32
      %add3A_29 = arith.addi %mul3A_26, %mul3A_28 : i32
      "tpu.region"() ({
        %run_scoped3A = tpu.sem_alloc : memref<!tpu.dma_semaphore, #tpu.memory_space<semaphore_mem>>
        %dma_start3A = arith.constant 0 : i32
        %dma_start3A_30 = tpu.memref_slice %arg9[%add3A_29, %dma_start3A] : memref<10240x128xf32, #tpu.memory_space<vmem_shared>> -> memref<64x128xf32, #tpu.memory_space<vmem_shared>>
        %dma_start3A_31 = arith.constant 0 : i32
        %dma_start3A_32 = tpu.memref_slice %arg9[%add3A_29, %dma_start3A_31] : memref<10240x128xf32, #tpu.memory_space<vmem_shared>> -> memref<64x128xf32, #tpu.memory_space<vmem_shared>>
        tpu.enqueue_dma source(%arg8 : memref<64x128xf32, #tpu.memory_space<vmem>>) target(%dma_start3A_32 : memref<64x128xf32, #tpu.memory_space<vmem_shared>>) target_semaphore(%run_scoped3A : memref<!tpu.dma_semaphore, #tpu.memory_space<semaphore_mem>>)
        %dma_wait3A = arith.constant 0 : i32
        %dma_wait3A_33 = tpu.memref_slice %arg9[%add3A_29, %dma_wait3A] : memref<10240x128xf32, #tpu.memory_space<vmem_shared>> -> memref<64x128xf32, #tpu.memory_space<vmem_shared>>
        %dma_wait3A_34 = arith.constant 0 : i32
        %dma_wait3A_35 = tpu.memref_slice %arg9[%add3A_29, %dma_wait3A_34] : memref<10240x128xf32, #tpu.memory_space<vmem_shared>> -> memref<64x128xf32, #tpu.memory_space<vmem_shared>>
        tpu.wait_dma2 semaphore(%run_scoped3A : memref<!tpu.dma_semaphore, #tpu.memory_space<semaphore_mem>>) src(%arg8 : memref<64x128xf32, #tpu.memory_space<vmem>>) dst(%dma_wait3A_35 : memref<64x128xf32, #tpu.memory_space<vmem_shared>>)
        tpu.yield
      }) : () -> ()
    }
    %scan3A_9 = arith.constant 10 : i32
    %barrier3A = arith.constant 0 : index
    tpu.barrier barrier_id(%barrier3A)
    "tpu.region"() ({
      %run_scoped3A = tpu.sem_alloc : memref<!tpu.dma_semaphore, #tpu.memory_space<semaphore_mem>>
      %dma_start3A = arith.constant 0 : i32
      %dma_start3A_20 = arith.constant 0 : i32
      %dma_start3A_21 = tpu.memref_slice %arg3[%add3A, %dma_start3A, %dma_start3A_20] : memref<32x157x64xi32, #tpu.memory_space<hbm>> -> memref<1x157x64xi32, #tpu.memory_space<hbm>>
      %dma_start3A_22 = tpu.memref_squeeze %dma_start3A_21 : memref<1x157x64xi32, #tpu.memory_space<hbm>> -> memref<157x64xi32, #tpu.memory_space<hbm>>
      %dma_start3A_23 = arith.constant 0 : i32
      %dma_start3A_24 = arith.constant 0 : i32
      %dma_start3A_25 = tpu.memref_slice %arg3[%add3A, %dma_start3A_23, %dma_start3A_24] : memref<32x157x64xi32, #tpu.memory_space<hbm>> -> memref<1x157x64xi32, #tpu.memory_space<hbm>>
      %dma_start3A_26 = tpu.memref_squeeze %dma_start3A_25 : memref<1x157x64xi32, #tpu.memory_space<hbm>> -> memref<157x64xi32, #tpu.memory_space<hbm>>
      tpu.enqueue_dma source(%dma_start3A_26 : memref<157x64xi32, #tpu.memory_space<hbm>>) target(%arg6 : memref<157x64xi32, #tpu.memory_space<vmem>>) target_semaphore(%run_scoped3A : memref<!tpu.dma_semaphore, #tpu.memory_space<semaphore_mem>>)
      %dma_wait3A = arith.constant 0 : i32
      %dma_wait3A_27 = arith.constant 0 : i32
      %dma_wait3A_28 = tpu.memref_slice %arg3[%add3A, %dma_wait3A, %dma_wait3A_27] : memref<32x157x64xi32, #tpu.memory_space<hbm>> -> memref<1x157x64xi32, #tpu.memory_space<hbm>>
      %dma_wait3A_29 = tpu.memref_squeeze %dma_wait3A_28 : memref<1x157x64xi32, #tpu.memory_space<hbm>> -> memref<157x64xi32, #tpu.memory_space<hbm>>
      %dma_wait3A_30 = arith.constant 0 : i32
      %dma_wait3A_31 = arith.constant 0 : i32
      %dma_wait3A_32 = tpu.memref_slice %arg3[%add3A, %dma_wait3A_30, %dma_wait3A_31] : memref<32x157x64xi32, #tpu.memory_space<hbm>> -> memref<1x157x64xi32, #tpu.memory_space<hbm>>
      %dma_wait3A_33 = tpu.memref_squeeze %dma_wait3A_32 : memref<1x157x64xi32, #tpu.memory_space<hbm>> -> memref<157x64xi32, #tpu.memory_space<hbm>>
      tpu.wait_dma2 semaphore(%run_scoped3A : memref<!tpu.dma_semaphore, #tpu.memory_space<semaphore_mem>>) src(%dma_wait3A_33 : memref<157x64xi32, #tpu.memory_space<hbm>>) dst(%arg6 : memref<157x64xi32, #tpu.memory_space<vmem>>)
      tpu.yield
    }) : () -> ()
    "tpu.region"() ({
      %run_scoped3A = tpu.sem_alloc : memref<!tpu.dma_semaphore, #tpu.memory_space<semaphore_mem>>
      %dma_start3A = arith.constant 0 : i32
      %dma_start3A_20 = arith.constant 0 : i32
      %dma_start3A_21 = tpu.memref_slice %arg4[%add3A, %dma_start3A, %dma_start3A_20] : memref<32x157x64xi32, #tpu.memory_space<hbm>> -> memref<1x157x64xi32, #tpu.memory_space<hbm>>
      %dma_start3A_22 = tpu.memref_squeeze %dma_start3A_21 : memref<1x157x64xi32, #tpu.memory_space<hbm>> -> memref<157x64xi32, #tpu.memory_space<hbm>>
      %dma_start3A_23 = arith.constant 0 : i32
      %dma_start3A_24 = arith.constant 0 : i32
      %dma_start3A_25 = tpu.memref_slice %arg4[%add3A, %dma_start3A_23, %dma_start3A_24] : memref<32x157x64xi32, #tpu.memory_space<hbm>> -> memref<1x157x64xi32, #tpu.memory_space<hbm>>
      %dma_start3A_26 = tpu.memref_squeeze %dma_start3A_25 : memref<1x157x64xi32, #tpu.memory_space<hbm>> -> memref<157x64xi32, #tpu.memory_space<hbm>>
      tpu.enqueue_dma source(%dma_start3A_26 : memref<157x64xi32, #tpu.memory_space<hbm>>) target(%arg7 : memref<157x64xi32, #tpu.memory_space<vmem>>) target_semaphore(%run_scoped3A : memref<!tpu.dma_semaphore, #tpu.memory_space<semaphore_mem>>)
      %dma_wait3A = arith.constant 0 : i32
      %dma_wait3A_27 = arith.constant 0 : i32
      %dma_wait3A_28 = tpu.memref_slice %arg4[%add3A, %dma_wait3A, %dma_wait3A_27] : memref<32x157x64xi32, #tpu.memory_space<hbm>> -> memref<1x157x64xi32, #tpu.memory_space<hbm>>
      %dma_wait3A_29 = tpu.memref_squeeze %dma_wait3A_28 : memref<1x157x64xi32, #tpu.memory_space<hbm>> -> memref<157x64xi32, #tpu.memory_space<hbm>>
      %dma_wait3A_30 = arith.constant 0 : i32
      %dma_wait3A_31 = arith.constant 0 : i32
      %dma_wait3A_32 = tpu.memref_slice %arg4[%add3A, %dma_wait3A_30, %dma_wait3A_31] : memref<32x157x64xi32, #tpu.memory_space<hbm>> -> memref<1x157x64xi32, #tpu.memory_space<hbm>>
      %dma_wait3A_33 = tpu.memref_squeeze %dma_wait3A_32 : memref<1x157x64xi32, #tpu.memory_space<hbm>> -> memref<157x64xi32, #tpu.memory_space<hbm>>
      tpu.wait_dma2 semaphore(%run_scoped3A : memref<!tpu.dma_semaphore, #tpu.memory_space<semaphore_mem>>) src(%dma_wait3A_33 : memref<157x64xi32, #tpu.memory_space<hbm>>) dst(%arg7 : memref<157x64xi32, #tpu.memory_space<vmem>>)
      tpu.yield
    }) : () -> ()
    %scan3A_10 = arith.constant 0 : i32
    %scan3A_11 = arith.constant 157 : i32
    %scan3A_12 = arith.addi %scan3A_10, %scan3A_11 : i32
    %scan3A_13 = arith.constant 1 : i32
    scf.for %scan3A_20 = %scan3A_10 to %scan3A_12 step %scan3A_13  : i32 {
      %mul3A_21 = arith.constant 1 : i32
      %mul3A_22 = arith.muli %scan3A_20, %mul3A_21 : i32
      %add3A_23 = arith.constant 0 : i32
      %add3A_24 = arith.addi %add3A_23, %mul3A_22 : i32
      %dma_start3A = arith.constant 0 : i32
      %dma_start3A_25 = tpu.memref_slice %arg6[%add3A_24, %dma_start3A] : memref<157x64xi32, #tpu.memory_space<vmem>> -> memref<1x64xi32, #tpu.memory_space<vmem>>
      %dma_start3A_26 = tpu.memref_squeeze %dma_start3A_25 : memref<1x64xi32, #tpu.memory_space<vmem>> -> memref<64xi32, #tpu.memory_space<vmem>>
      %dma_start3A_27 = arith.constant 0 : i32
      %dma_start3A_28 = arith.constant 0 : i32
      %dma_start3A_29 = tpu.memref_slice %arg2[%dma_start3A_27, %dma_start3A_28] : memref<10240x128xf32, #tpu.memory_space<hbm>> -> memref<10240x128xf32, #tpu.memory_space<hbm>>
      tpu.enqueue_indirect_dma source(%dma_start3A_29 : memref<10240x128xf32, #tpu.memory_space<hbm>>) target(%arg8 : memref<64x128xf32, #tpu.memory_space<vmem>>) offsets(%dma_start3A_26 : memref<64xi32, #tpu.memory_space<vmem>>) semaphore(%arg10 : memref<!tpu.dma_semaphore, #tpu.memory_space<semaphore_mem>>)
      %dma_wait3A = arith.constant 0 : i32
      %dma_wait3A_30 = tpu.memref_slice %arg6[%add3A_24, %dma_wait3A] : memref<157x64xi32, #tpu.memory_space<vmem>> -> memref<1x64xi32, #tpu.memory_space<vmem>>
      %dma_wait3A_31 = tpu.memref_squeeze %dma_wait3A_30 : memref<1x64xi32, #tpu.memory_space<vmem>> -> memref<64xi32, #tpu.memory_space<vmem>>
      %dma_wait3A_32 = arith.constant 0 : i32
      %dma_wait3A_33 = arith.constant 0 : i32
      %dma_wait3A_34 = tpu.memref_slice %arg2[%dma_wait3A_32, %dma_wait3A_33] : memref<10240x128xf32, #tpu.memory_space<hbm>> -> memref<10240x128xf32, #tpu.memory_space<hbm>>
      tpu.wait_indirect_dma semaphore(%arg10 : memref<!tpu.dma_semaphore, #tpu.memory_space<semaphore_mem>>) src(%dma_wait3A_34 : memref<10240x128xf32, #tpu.memory_space<hbm>>) dst(%arg8 : memref<64x128xf32, #tpu.memory_space<vmem>>)
      "tpu.region"() ({
        %run_scoped3A = tpu.sem_alloc : memref<!tpu.dma_semaphore, #tpu.memory_space<semaphore_mem>>
        %dma_start3A_35 = arith.constant 0 : i32
        %dma_start3A_36 = tpu.memref_slice %arg7[%add3A_24, %dma_start3A_35] : memref<157x64xi32, #tpu.memory_space<vmem>> -> memref<1x64xi32, #tpu.memory_space<vmem>>
        %dma_start3A_37 = tpu.memref_squeeze %dma_start3A_36 : memref<1x64xi32, #tpu.memory_space<vmem>> -> memref<64xi32, #tpu.memory_space<vmem>>
        %dma_start3A_38 = arith.constant 0 : i32
        %dma_start3A_39 = arith.constant 0 : i32
        %dma_start3A_40 = tpu.memref_slice %arg9[%dma_start3A_38, %dma_start3A_39] : memref<10240x128xf32, #tpu.memory_space<vmem_shared>> -> memref<10240x128xf32, #tpu.memory_space<vmem_shared>>
        tpu.enqueue_indirect_dma source(%arg8 : memref<64x128xf32, #tpu.memory_space<vmem>>) target(%dma_start3A_40 : memref<10240x128xf32, #tpu.memory_space<vmem_shared>>) offsets(%dma_start3A_37 : memref<64xi32, #tpu.memory_space<vmem>>) semaphore(%run_scoped3A : memref<!tpu.dma_semaphore, #tpu.memory_space<semaphore_mem>>) {add = true}
        %dma_wait3A_41 = arith.constant 0 : i32
        %dma_wait3A_42 = tpu.memref_slice %arg7[%add3A_24, %dma_wait3A_41] : memref<157x64xi32, #tpu.memory_space<vmem>> -> memref<1x64xi32, #tpu.memory_space<vmem>>
        %dma_wait3A_43 = tpu.memref_squeeze %dma_wait3A_42 : memref<1x64xi32, #tpu.memory_space<vmem>> -> memref<64xi32, #tpu.memory_space<vmem>>
        %dma_wait3A_44 = arith.constant 0 : i32
        %dma_wait3A_45 = arith.constant 0 : i32
        %dma_wait3A_46 = tpu.memref_slice %arg9[%dma_wait3A_44, %dma_wait3A_45] : memref<10240x128xf32, #tpu.memory_space<vmem_shared>> -> memref<10240x128xf32, #tpu.memory_space<vmem_shared>>
        tpu.wait_indirect_dma semaphore(%run_scoped3A : memref<!tpu.dma_semaphore, #tpu.memory_space<semaphore_mem>>) src(%arg8 : memref<64x128xf32, #tpu.memory_space<vmem>>) dst(%dma_wait3A_46 : memref<10240x128xf32, #tpu.memory_space<vmem_shared>>)
        tpu.yield
      }) : () -> ()
    }
    %scan3A_14 = arith.constant 157 : i32
    %barrier3A_15 = arith.constant 0 : index
    tpu.barrier barrier_id(%barrier3A_15)
    %mul3A_16 = arith.constant 640 : i32
    %mul3A_17 = arith.muli %arg1, %mul3A_16 : i32
    %mul3A_18 = arith.constant 640 : i32
    %mul3A_19 = arith.muli %arg1, %mul3A_18 : i32
    "tpu.region"() ({
      %run_scoped3A = tpu.sem_alloc : memref<!tpu.dma_semaphore, #tpu.memory_space<semaphore_mem>>
      %dma_start3A = arith.constant 0 : i32
      %dma_start3A_20 = tpu.memref_slice %arg5[%arg0, %mul3A_19, %dma_start3A] : memref<2x10240x128xf32, #tpu.memory_space<hbm>> -> memref<1x640x128xf32, #tpu.memory_space<hbm>>
      %dma_start3A_21 = tpu.memref_squeeze %dma_start3A_20 : memref<1x640x128xf32, #tpu.memory_space<hbm>> -> memref<640x128xf32, #tpu.memory_space<hbm>>
      %dma_start3A_22 = arith.constant 0 : i32
      %dma_start3A_23 = tpu.memref_slice %arg9[%mul3A_17, %dma_start3A_22] : memref<10240x128xf32, #tpu.memory_space<vmem_shared>> -> memref<640x128xf32, #tpu.memory_space<vmem_shared>>
      tpu.enqueue_dma source(%dma_start3A_23 : memref<640x128xf32, #tpu.memory_space<vmem_shared>>) target(%dma_start3A_21 : memref<640x128xf32, #tpu.memory_space<hbm>>) target_semaphore(%run_scoped3A : memref<!tpu.dma_semaphore, #tpu.memory_space<semaphore_mem>>)
      %dma_wait3A = arith.constant 0 : i32
      %dma_wait3A_24 = tpu.memref_slice %arg5[%arg0, %mul3A_19, %dma_wait3A] : memref<2x10240x128xf32, #tpu.memory_space<hbm>> -> memref<1x640x128xf32, #tpu.memory_space<hbm>>
      %dma_wait3A_25 = tpu.memref_squeeze %dma_wait3A_24 : memref<1x640x128xf32, #tpu.memory_space<hbm>> -> memref<640x128xf32, #tpu.memory_space<hbm>>
      %dma_wait3A_26 = arith.constant 0 : i32
      %dma_wait3A_27 = tpu.memref_slice %arg9[%mul3A_17, %dma_wait3A_26] : memref<10240x128xf32, #tpu.memory_space<vmem_shared>> -> memref<640x128xf32, #tpu.memory_space<vmem_shared>>
      tpu.wait_dma2 semaphore(%run_scoped3A : memref<!tpu.dma_semaphore, #tpu.memory_space<semaphore_mem>>) src(%dma_wait3A_27 : memref<640x128xf32, #tpu.memory_space<vmem_shared>>) dst(%dma_wait3A_25 : memref<640x128xf32, #tpu.memory_space<hbm>>)
      tpu.yield
    }) : () -> ()
    return
  }
}

module attributes {stable_mosaic.version = 14 : i64} {
  func.func @_y1_body(%arg0: i32, %arg1: memref<5120x128xf32, #tpu.memory_space<vmem>>, %arg2: memref<128x128xf32, #tpu.memory_space<vmem>>, %arg3: memref<2x5120x16xf32, #tpu.memory_space<vmem>>, %arg4: memref<5120x128xf32, #tpu.memory_space<vmem>>) attributes {dimension_semantics = [#tpu.dimension_semantics<arbitrary>], iteration_bounds = array<i64: 2>, scalar_prefetch = 0 : i64, scratch_operands = 0 : i64, tpu.core_type = #tpu.core_type<tc>, window_params = [{transform_indices = @transform_0, window_bounds = array<i64: 5120, 128>}, {pipeline_mode = #tpu.pipeline_mode<synchronous>, transform_indices = @transform_1, window_bounds = array<i64: 128, 128>}, {transform_indices = @transform_2, window_bounds = array<i64: 2, 5120, 16>}, {transform_indices = @transform_3, window_bounds = array<i64: 5120, 128>}]} {
    %get3A = arith.constant 0 : index
    %get3A_0 = arith.constant 0 : index
    %get3A_1 = arith.constant 0 : index
    %get3A_2 = vector.load %arg3[%get3A, %get3A_0, %get3A_1] : memref<2x5120x16xf32, #tpu.memory_space<vmem>>, vector<1x5120x1xf32>
    %get3A_3 = vector.shape_cast %get3A_2 : vector<1x5120x1xf32> to vector<5120x1xf32>
    %get3A_4 = arith.constant 1 : index
    %get3A_5 = arith.constant 0 : index
    %get3A_6 = arith.constant 0 : index
    %get3A_7 = vector.load %arg3[%get3A_4, %get3A_5, %get3A_6] : memref<2x5120x16xf32, #tpu.memory_space<vmem>>, vector<1x5120x1xf32>
    %get3A_8 = vector.shape_cast %get3A_7 : vector<1x5120x1xf32> to vector<5120x1xf32>
    %add3A = arith.addf %get3A_3, %get3A_8 : vector<5120x1xf32>
    %add3A_9 = arith.constant 1.000000e+00 : f32
    %add3A_10 = vector.broadcast %add3A_9 : f32 to vector<5120x1xf32>
    %add3A_11 = arith.addf %add3A, %add3A_10 : vector<5120x1xf32>
    %rsqrt3A = math.rsqrt %add3A_11 : vector<5120x1xf32>
    %get3A_12 = arith.constant 0 : index
    %get3A_13 = arith.constant 0 : index
    %get3A_14 = vector.load %arg1[%get3A_12, %get3A_13] : memref<5120x128xf32, #tpu.memory_space<vmem>>, vector<5120x128xf32>
    %get3A_15 = arith.constant 0 : index
    %get3A_16 = arith.constant 0 : index
    %get3A_17 = vector.load %arg2[%get3A_15, %get3A_16] : memref<128x128xf32, #tpu.memory_space<vmem>>, vector<128x128xf32>
    %dot_general3A = arith.constant dense<0.000000e+00> : vector<5120x128xf32>
    %dot_general3A_18 = tpu.matmul %get3A_14, %get3A_17, %dot_general3A {dimension_numbers = #tpu.dot_dimension_numbers<[1], [1], [0], [0], [0, 0, 1, 0], [], []>, transpose_lhs_hint = false} : vector<5120x128xf32>, vector<128x128xf32>, vector<5120x128xf32> -> vector<5120x128xf32>
    %mul3A = vector.broadcast %rsqrt3A : vector<5120x1xf32> to vector<5120x128xf32>
    %mul3A_19 = arith.mulf %mul3A, %dot_general3A_18 : vector<5120x128xf32>
    %swap3A = arith.constant 0 : index
    %swap3A_20 = arith.constant 0 : index
    %swap3A_21 = vector.load %arg4[%swap3A, %swap3A_20] : memref<5120x128xf32, #tpu.memory_space<vmem>>, vector<5120x128xf32>
    tpu.vector_store %arg4[%swap3A, %swap3A_20], %mul3A_19 {strides = array<i32>} : memref<5120x128xf32, #tpu.memory_space<vmem>>, vector<5120x128xf32>,
    return
  }
  func.func @transform_0(%arg0: i32) -> (i32, i32) {
    %c0_i32 = arith.constant 0 : i32
    %c0_i32_0 = arith.constant 0 : i32
    return %arg0, %c0_i32 : i32, i32
  }
  func.func @transform_1(%arg0: i32) -> (i32, i32) {
    %c0_i32 = arith.constant 0 : i32
    %c0_i32_0 = arith.constant 0 : i32
    %c0_i32_1 = arith.constant 0 : i32
    return %c0_i32, %c0_i32_0 : i32, i32
  }
  func.func @transform_2(%arg0: i32) -> (i32, i32, i32) {
    %c0_i32 = arith.constant 0 : i32
    %c0_i32_0 = arith.constant 0 : i32
    %c0_i32_1 = arith.constant 0 : i32
    return %c0_i32, %arg0, %c0_i32_0 : i32, i32, i32
  }
  func.func @transform_3(%arg0: i32) -> (i32, i32) {
    %c0_i32 = arith.constant 0 : i32
    %c0_i32_0 = arith.constant 0 : i32
    return %arg0, %c0_i32 : i32, i32
  }
}

module attributes {stable_mosaic.version = 14 : i64} {
  func.func @_combine_body(%arg0: i32, %arg1: memref<2x5120x128xf32, #tpu.memory_space<vmem>>, %arg2: memref<5120x128xf32, #tpu.memory_space<vmem>>, %arg3: memref<2x5120x16xf32, #tpu.memory_space<vmem>>, %arg4: memref<1x128xf32, #tpu.memory_space<vmem>>, %arg5: memref<128x128xf32, #tpu.memory_space<vmem>>, %arg6: memref<5120x128xf32, #tpu.memory_space<vmem>>, %arg7: memref<5120x128xf32, #tpu.memory_space<vmem>>, %arg8: memref<5120x128xf32, #tpu.memory_space<vmem>>) attributes {dimension_semantics = [#tpu.dimension_semantics<arbitrary>], iteration_bounds = array<i64: 2>, scalar_prefetch = 0 : i64, scratch_operands = 0 : i64, tpu.core_type = #tpu.core_type<tc>, window_params = [{transform_indices = @transform_0, window_bounds = array<i64: 2, 5120, 128>}, {transform_indices = @transform_1, window_bounds = array<i64: 5120, 128>}, {transform_indices = @transform_2, window_bounds = array<i64: 2, 5120, 16>}, {pipeline_mode = #tpu.pipeline_mode<synchronous>, transform_indices = @transform_3, window_bounds = array<i64: 1, 128>}, {pipeline_mode = #tpu.pipeline_mode<synchronous>, transform_indices = @transform_4, window_bounds = array<i64: 128, 128>}, {transform_indices = @transform_5, window_bounds = array<i64: 5120, 128>}, {transform_indices = @transform_6, window_bounds = array<i64: 5120, 128>}, {transform_indices = @transform_7, window_bounds = array<i64: 5120, 128>}]} {
    %get3A = arith.constant 0 : index
    %get3A_0 = arith.constant 0 : index
    %get3A_1 = arith.constant 0 : index
    %get3A_2 = vector.load %arg3[%get3A, %get3A_0, %get3A_1] : memref<2x5120x16xf32, #tpu.memory_space<vmem>>, vector<1x5120x1xf32>
    %get3A_3 = vector.shape_cast %get3A_2 : vector<1x5120x1xf32> to vector<5120x1xf32>
    %get3A_4 = arith.constant 1 : index
    %get3A_5 = arith.constant 0 : index
    %get3A_6 = arith.constant 0 : index
    %get3A_7 = vector.load %arg3[%get3A_4, %get3A_5, %get3A_6] : memref<2x5120x16xf32, #tpu.memory_space<vmem>>, vector<1x5120x1xf32>
    %get3A_8 = vector.shape_cast %get3A_7 : vector<1x5120x1xf32> to vector<5120x1xf32>
    %add3A = arith.addf %get3A_3, %get3A_8 : vector<5120x1xf32>
    %add3A_9 = arith.constant 1.000000e+00 : f32
    %add3A_10 = vector.broadcast %add3A_9 : f32 to vector<5120x1xf32>
    %add3A_11 = arith.addf %add3A, %add3A_10 : vector<5120x1xf32>
    %rsqrt3A = math.rsqrt %add3A_11 : vector<5120x1xf32>
    %get3A_12 = arith.constant 0 : index
    %get3A_13 = arith.constant 0 : index
    %get3A_14 = arith.constant 0 : index
    %get3A_15 = vector.load %arg1[%get3A_12, %get3A_13, %get3A_14] : memref<2x5120x128xf32, #tpu.memory_space<vmem>>, vector<1x5120x128xf32>
    %get3A_16 = vector.shape_cast %get3A_15 : vector<1x5120x128xf32> to vector<5120x128xf32>
    %get3A_17 = arith.constant 1 : index
    %get3A_18 = arith.constant 0 : index
    %get3A_19 = arith.constant 0 : index
    %get3A_20 = vector.load %arg1[%get3A_17, %get3A_18, %get3A_19] : memref<2x5120x128xf32, #tpu.memory_space<vmem>>, vector<1x5120x128xf32>
    %get3A_21 = vector.shape_cast %get3A_20 : vector<1x5120x128xf32> to vector<5120x128xf32>
    %add3A_22 = arith.addf %get3A_16, %get3A_21 : vector<5120x128xf32>
    %get3A_23 = arith.constant 0 : index
    %get3A_24 = arith.constant 0 : index
    %get3A_25 = vector.load %arg2[%get3A_23, %get3A_24] : memref<5120x128xf32, #tpu.memory_space<vmem>>, vector<5120x128xf32>
    %add3A_26 = arith.addf %add3A_22, %get3A_25 : vector<5120x128xf32>
    %mul3A = vector.broadcast %rsqrt3A : vector<5120x1xf32> to vector<5120x128xf32>
    %mul3A_27 = arith.mulf %mul3A, %add3A_26 : vector<5120x128xf32>
    %get3A_28 = arith.constant 0 : index
    %get3A_29 = arith.constant 0 : index
    %get3A_30 = vector.load %arg4[%get3A_28, %get3A_29] : memref<1x128xf32, #tpu.memory_space<vmem>>, vector<1x128xf32>
    %add3A_31 = vector.broadcast %get3A_30 : vector<1x128xf32> to vector<5120x128xf32>
    %add3A_32 = arith.addf %mul3A_27, %add3A_31 : vector<5120x128xf32>
    %swap3A = arith.constant 0 : index
    %swap3A_33 = arith.constant 0 : index
    %swap3A_34 = vector.load %arg6[%swap3A, %swap3A_33] : memref<5120x128xf32, #tpu.memory_space<vmem>>, vector<5120x128xf32>
    tpu.vector_store %arg6[%swap3A, %swap3A_33], %add3A_32 {strides = array<i32>} : memref<5120x128xf32, #tpu.memory_space<vmem>>, vector<5120x128xf32>,
    %max3A = arith.constant 0.000000e+00 : f32
    %max3A_35 = vector.broadcast %max3A : f32 to vector<5120x128xf32>
    %max3A_36 = arith.maximumf %add3A_32, %max3A_35 : vector<5120x128xf32>
    %swap3A_37 = arith.constant 0 : index
    %swap3A_38 = arith.constant 0 : index
    %swap3A_39 = vector.load %arg7[%swap3A_37, %swap3A_38] : memref<5120x128xf32, #tpu.memory_space<vmem>>, vector<5120x128xf32>
    tpu.vector_store %arg7[%swap3A_37, %swap3A_38], %max3A_36 {strides = array<i32>} : memref<5120x128xf32, #tpu.memory_space<vmem>>, vector<5120x128xf32>,
    %get3A_40 = arith.constant 0 : index
    %get3A_41 = arith.constant 0 : index
    %get3A_42 = vector.load %arg5[%get3A_40, %get3A_41] : memref<128x128xf32, #tpu.memory_space<vmem>>, vector<128x128xf32>
    %dot_general3A = arith.constant dense<0.000000e+00> : vector<5120x128xf32>
    %dot_general3A_43 = tpu.matmul %max3A_36, %get3A_42, %dot_general3A {dimension_numbers = #tpu.dot_dimension_numbers<[1], [1], [0], [0], [0, 0, 1, 0], [], []>, transpose_lhs_hint = false} : vector<5120x128xf32>, vector<128x128xf32>, vector<5120x128xf32> -> vector<5120x128xf32>
    %mul3A_44 = vector.broadcast %rsqrt3A : vector<5120x1xf32> to vector<5120x128xf32>
    %mul3A_45 = arith.mulf %mul3A_44, %dot_general3A_43 : vector<5120x128xf32>
    %swap3A_46 = arith.constant 0 : index
    %swap3A_47 = arith.constant 0 : index
    %swap3A_48 = vector.load %arg8[%swap3A_46, %swap3A_47] : memref<5120x128xf32, #tpu.memory_space<vmem>>, vector<5120x128xf32>
    tpu.vector_store %arg8[%swap3A_46, %swap3A_47], %mul3A_45 {strides = array<i32>} : memref<5120x128xf32, #tpu.memory_space<vmem>>, vector<5120x128xf32>,
    return
  }
  func.func @transform_0(%arg0: i32) -> (i32, i32, i32) {
    %c0_i32 = arith.constant 0 : i32
    %c0_i32_0 = arith.constant 0 : i32
    %c0_i32_1 = arith.constant 0 : i32
    return %c0_i32, %arg0, %c0_i32_0 : i32, i32, i32
  }
  func.func @transform_1(%arg0: i32) -> (i32, i32) {
    %c0_i32 = arith.constant 0 : i32
    %c0_i32_0 = arith.constant 0 : i32
    return %arg0, %c0_i32 : i32, i32
  }
  func.func @transform_2(%arg0: i32) -> (i32, i32, i32) {
    %c0_i32 = arith.constant 0 : i32
    %c0_i32_0 = arith.constant 0 : i32
    %c0_i32_1 = arith.constant 0 : i32
    return %c0_i32, %arg0, %c0_i32_0 : i32, i32, i32
  }
  func.func @transform_3(%arg0: i32) -> (i32, i32) {
    %c0_i32 = arith.constant 0 : i32
    %c0_i32_0 = arith.constant 0 : i32
    %c0_i32_1 = arith.constant 0 : i32
    return %c0_i32, %c0_i32_0 : i32, i32
  }
  func.func @transform_4(%arg0: i32) -> (i32, i32) {
    %c0_i32 = arith.constant 0 : i32
    %c0_i32_0 = arith.constant 0 : i32
    %c0_i32_1 = arith.constant 0 : i32
    return %c0_i32, %c0_i32_0 : i32, i32
  }
  func.func @transform_5(%arg0: i32) -> (i32, i32) {
    %c0_i32 = arith.constant 0 : i32
    %c0_i32_0 = arith.constant 0 : i32
    return %arg0, %c0_i32 : i32, i32
  }
  func.func @transform_6(%arg0: i32) -> (i32, i32) {
    %c0_i32 = arith.constant 0 : i32
    %c0_i32_0 = arith.constant 0 : i32
    return %arg0, %c0_i32 : i32, i32
  }
  func.func @transform_7(%arg0: i32) -> (i32, i32) {
    %c0_i32 = arith.constant 0 : i32
    %c0_i32_0 = arith.constant 0 : i32
    return %arg0, %c0_i32 : i32, i32
  }
}

module attributes {stable_mosaic.version = 14 : i64} {
  func.func @_combine_body(%arg0: i32, %arg1: memref<2x5120x128xf32, #tpu.memory_space<vmem>>, %arg2: memref<5120x128xf32, #tpu.memory_space<vmem>>, %arg3: memref<2x5120x16xf32, #tpu.memory_space<vmem>>, %arg4: memref<1x128xf32, #tpu.memory_space<vmem>>, %arg5: memref<128x128xf32, #tpu.memory_space<vmem>>, %arg6: memref<5120x128xf32, #tpu.memory_space<vmem>>, %arg7: memref<5120x128xf32, #tpu.memory_space<vmem>>, %arg8: memref<5120x128xf32, #tpu.memory_space<vmem>>) attributes {dimension_semantics = [#tpu.dimension_semantics<arbitrary>], iteration_bounds = array<i64: 2>, scalar_prefetch = 0 : i64, scratch_operands = 0 : i64, tpu.core_type = #tpu.core_type<tc>, window_params = [{transform_indices = @transform_0, window_bounds = array<i64: 2, 5120, 128>}, {transform_indices = @transform_1, window_bounds = array<i64: 5120, 128>}, {transform_indices = @transform_2, window_bounds = array<i64: 2, 5120, 16>}, {pipeline_mode = #tpu.pipeline_mode<synchronous>, transform_indices = @transform_3, window_bounds = array<i64: 1, 128>}, {pipeline_mode = #tpu.pipeline_mode<synchronous>, transform_indices = @transform_4, window_bounds = array<i64: 128, 128>}, {transform_indices = @transform_5, window_bounds = array<i64: 5120, 128>}, {transform_indices = @transform_6, window_bounds = array<i64: 5120, 128>}, {transform_indices = @transform_7, window_bounds = array<i64: 5120, 128>}]} {
    %get3A = arith.constant 0 : index
    %get3A_0 = arith.constant 0 : index
    %get3A_1 = arith.constant 0 : index
    %get3A_2 = vector.load %arg3[%get3A, %get3A_0, %get3A_1] : memref<2x5120x16xf32, #tpu.memory_space<vmem>>, vector<1x5120x1xf32>
    %get3A_3 = vector.shape_cast %get3A_2 : vector<1x5120x1xf32> to vector<5120x1xf32>
    %get3A_4 = arith.constant 1 : index
    %get3A_5 = arith.constant 0 : index
    %get3A_6 = arith.constant 0 : index
    %get3A_7 = vector.load %arg3[%get3A_4, %get3A_5, %get3A_6] : memref<2x5120x16xf32, #tpu.memory_space<vmem>>, vector<1x5120x1xf32>
    %get3A_8 = vector.shape_cast %get3A_7 : vector<1x5120x1xf32> to vector<5120x1xf32>
    %add3A = arith.addf %get3A_3, %get3A_8 : vector<5120x1xf32>
    %add3A_9 = arith.constant 1.000000e+00 : f32
    %add3A_10 = vector.broadcast %add3A_9 : f32 to vector<5120x1xf32>
    %add3A_11 = arith.addf %add3A, %add3A_10 : vector<5120x1xf32>
    %rsqrt3A = math.rsqrt %add3A_11 : vector<5120x1xf32>
    %get3A_12 = arith.constant 0 : index
    %get3A_13 = arith.constant 0 : index
    %get3A_14 = arith.constant 0 : index
    %get3A_15 = vector.load %arg1[%get3A_12, %get3A_13, %get3A_14] : memref<2x5120x128xf32, #tpu.memory_space<vmem>>, vector<1x5120x128xf32>
    %get3A_16 = vector.shape_cast %get3A_15 : vector<1x5120x128xf32> to vector<5120x128xf32>
    %get3A_17 = arith.constant 1 : index
    %get3A_18 = arith.constant 0 : index
    %get3A_19 = arith.constant 0 : index
    %get3A_20 = vector.load %arg1[%get3A_17, %get3A_18, %get3A_19] : memref<2x5120x128xf32, #tpu.memory_space<vmem>>, vector<1x5120x128xf32>
    %get3A_21 = vector.shape_cast %get3A_20 : vector<1x5120x128xf32> to vector<5120x128xf32>
    %add3A_22 = arith.addf %get3A_16, %get3A_21 : vector<5120x128xf32>
    %get3A_23 = arith.constant 0 : index
    %get3A_24 = arith.constant 0 : index
    %get3A_25 = vector.load %arg2[%get3A_23, %get3A_24] : memref<5120x128xf32, #tpu.memory_space<vmem>>, vector<5120x128xf32>
    %add3A_26 = arith.addf %add3A_22, %get3A_25 : vector<5120x128xf32>
    %mul3A = vector.broadcast %rsqrt3A : vector<5120x1xf32> to vector<5120x128xf32>
    %mul3A_27 = arith.mulf %mul3A, %add3A_26 : vector<5120x128xf32>
    %get3A_28 = arith.constant 0 : index
    %get3A_29 = arith.constant 0 : index
    %get3A_30 = vector.load %arg4[%get3A_28, %get3A_29] : memref<1x128xf32, #tpu.memory_space<vmem>>, vector<1x128xf32>
    %add3A_31 = vector.broadcast %get3A_30 : vector<1x128xf32> to vector<5120x128xf32>
    %add3A_32 = arith.addf %mul3A_27, %add3A_31 : vector<5120x128xf32>
    %swap3A = arith.constant 0 : index
    %swap3A_33 = arith.constant 0 : index
    %swap3A_34 = vector.load %arg6[%swap3A, %swap3A_33] : memref<5120x128xf32, #tpu.memory_space<vmem>>, vector<5120x128xf32>
    tpu.vector_store %arg6[%swap3A, %swap3A_33], %add3A_32 {strides = array<i32>} : memref<5120x128xf32, #tpu.memory_space<vmem>>, vector<5120x128xf32>,
    %max3A = arith.constant 0.000000e+00 : f32
    %max3A_35 = vector.broadcast %max3A : f32 to vector<5120x128xf32>
    %max3A_36 = arith.maximumf %add3A_32, %max3A_35 : vector<5120x128xf32>
    %swap3A_37 = arith.constant 0 : index
    %swap3A_38 = arith.constant 0 : index
    %swap3A_39 = vector.load %arg7[%swap3A_37, %swap3A_38] : memref<5120x128xf32, #tpu.memory_space<vmem>>, vector<5120x128xf32>
    tpu.vector_store %arg7[%swap3A_37, %swap3A_38], %max3A_36 {strides = array<i32>} : memref<5120x128xf32, #tpu.memory_space<vmem>>, vector<5120x128xf32>,
    %get3A_40 = arith.constant 0 : index
    %get3A_41 = arith.constant 0 : index
    %get3A_42 = vector.load %arg5[%get3A_40, %get3A_41] : memref<128x128xf32, #tpu.memory_space<vmem>>, vector<128x128xf32>
    %dot_general3A = arith.constant dense<0.000000e+00> : vector<5120x128xf32>
    %dot_general3A_43 = tpu.matmul %max3A_36, %get3A_42, %dot_general3A {dimension_numbers = #tpu.dot_dimension_numbers<[1], [1], [0], [0], [0, 0, 1, 0], [], []>, transpose_lhs_hint = false} : vector<5120x128xf32>, vector<128x128xf32>, vector<5120x128xf32> -> vector<5120x128xf32>
    %mul3A_44 = vector.broadcast %rsqrt3A : vector<5120x1xf32> to vector<5120x128xf32>
    %mul3A_45 = arith.mulf %mul3A_44, %dot_general3A_43 : vector<5120x128xf32>
    %swap3A_46 = arith.constant 0 : index
    %swap3A_47 = arith.constant 0 : index
    %swap3A_48 = vector.load %arg8[%swap3A_46, %swap3A_47] : memref<5120x128xf32, #tpu.memory_space<vmem>>, vector<5120x128xf32>
    tpu.vector_store %arg8[%swap3A_46, %swap3A_47], %mul3A_45 {strides = array<i32>} : memref<5120x128xf32, #tpu.memory_space<vmem>>, vector<5120x128xf32>,
    return
  }
  func.func @transform_0(%arg0: i32) -> (i32, i32, i32) {
    %c0_i32 = arith.constant 0 : i32
    %c0_i32_0 = arith.constant 0 : i32
    %c0_i32_1 = arith.constant 0 : i32
    return %c0_i32, %arg0, %c0_i32_0 : i32, i32, i32
  }
  func.func @transform_1(%arg0: i32) -> (i32, i32) {
    %c0_i32 = arith.constant 0 : i32
    %c0_i32_0 = arith.constant 0 : i32
    return %arg0, %c0_i32 : i32, i32
  }
  func.func @transform_2(%arg0: i32) -> (i32, i32, i32) {
    %c0_i32 = arith.constant 0 : i32
    %c0_i32_0 = arith.constant 0 : i32
    %c0_i32_1 = arith.constant 0 : i32
    return %c0_i32, %arg0, %c0_i32_0 : i32, i32, i32
  }
  func.func @transform_3(%arg0: i32) -> (i32, i32) {
    %c0_i32 = arith.constant 0 : i32
    %c0_i32_0 = arith.constant 0 : i32
    %c0_i32_1 = arith.constant 0 : i32
    return %c0_i32, %c0_i32_0 : i32, i32
  }
  func.func @transform_4(%arg0: i32) -> (i32, i32) {
    %c0_i32 = arith.constant 0 : i32
    %c0_i32_0 = arith.constant 0 : i32
    %c0_i32_1 = arith.constant 0 : i32
    return %c0_i32, %c0_i32_0 : i32, i32
  }
  func.func @transform_5(%arg0: i32) -> (i32, i32) {
    %c0_i32 = arith.constant 0 : i32
    %c0_i32_0 = arith.constant 0 : i32
    return %arg0, %c0_i32 : i32, i32
  }
  func.func @transform_6(%arg0: i32) -> (i32, i32) {
    %c0_i32 = arith.constant 0 : i32
    %c0_i32_0 = arith.constant 0 : i32
    return %arg0, %c0_i32 : i32, i32
  }
  func.func @transform_7(%arg0: i32) -> (i32, i32) {
    %c0_i32 = arith.constant 0 : i32
    %c0_i32_0 = arith.constant 0 : i32
    return %arg0, %c0_i32 : i32, i32
  }
}

module attributes {stable_mosaic.version = 14 : i64} {
  func.func @_pool_body(%arg0: i32, %arg1: memref<2x5120x128xf32, #tpu.memory_space<vmem>>, %arg2: memref<5120x128xf32, #tpu.memory_space<vmem>>, %arg3: memref<2x5120x16xf32, #tpu.memory_space<vmem>>, %arg4: memref<1x128xf32, #tpu.memory_space<vmem>>, %arg5: memref<5120x1xi32, #tpu.memory_space<vmem>>, %arg6: memref<2x128xf32, #tpu.memory_space<vmem>>, %arg7: memref<1x2xf32, #tpu.memory_space<vmem>>, %arg8: memref<5120x128xf32, #tpu.memory_space<vmem>>, %arg9: memref<64x128xf32, #tpu.memory_space<vmem>>, %arg10: memref<64x2xf32, #tpu.memory_space<vmem>>, %arg11: memref<64x128xf32, #tpu.memory_space<vmem>>, %arg12: memref<64x128xf32, #tpu.memory_space<vmem>>) attributes {dimension_semantics = [#tpu.dimension_semantics<arbitrary>], iteration_bounds = array<i64: 2>, scalar_prefetch = 0 : i64, scratch_operands = 2 : i64, tpu.core_type = #tpu.core_type<tc>, window_params = [{transform_indices = @transform_0, window_bounds = array<i64: 2, 5120, 128>}, {transform_indices = @transform_1, window_bounds = array<i64: 5120, 128>}, {transform_indices = @transform_2, window_bounds = array<i64: 2, 5120, 16>}, {pipeline_mode = #tpu.pipeline_mode<synchronous>, transform_indices = @transform_3, window_bounds = array<i64: 1, 128>}, {transform_indices = @transform_4, window_bounds = array<i64: 5120, 1>}, {pipeline_mode = #tpu.pipeline_mode<synchronous>, transform_indices = @transform_5, window_bounds = array<i64: 2, 128>}, {pipeline_mode = #tpu.pipeline_mode<synchronous>, transform_indices = @transform_6, window_bounds = array<i64: 1, 2>}, {transform_indices = @transform_7, window_bounds = array<i64: 5120, 128>}, {pipeline_mode = #tpu.pipeline_mode<synchronous>, transform_indices = @transform_8, window_bounds = array<i64: 64, 128>}, {pipeline_mode = #tpu.pipeline_mode<synchronous>, transform_indices = @transform_9, window_bounds = array<i64: 64, 2>}]} {
    %get3A = arith.constant 0 : index
    %get3A_0 = arith.constant 0 : index
    %get3A_1 = arith.constant 0 : index
    %get3A_2 = vector.load %arg3[%get3A, %get3A_0, %get3A_1] : memref<2x5120x16xf32, #tpu.memory_space<vmem>>, vector<1x5120x1xf32>
    %get3A_3 = vector.shape_cast %get3A_2 : vector<1x5120x1xf32> to vector<5120x1xf32>
    %get3A_4 = arith.constant 1 : index
    %get3A_5 = arith.constant 0 : index
    %get3A_6 = arith.constant 0 : index
    %get3A_7 = vector.load %arg3[%get3A_4, %get3A_5, %get3A_6] : memref<2x5120x16xf32, #tpu.memory_space<vmem>>, vector<1x5120x1xf32>
    %get3A_8 = vector.shape_cast %get3A_7 : vector<1x5120x1xf32> to vector<5120x1xf32>
    %add3A = arith.addf %get3A_3, %get3A_8 : vector<5120x1xf32>
    %add3A_9 = arith.constant 1.000000e+00 : f32
    %add3A_10 = vector.broadcast %add3A_9 : f32 to vector<5120x1xf32>
    %add3A_11 = arith.addf %add3A, %add3A_10 : vector<5120x1xf32>
    %rsqrt3A = math.rsqrt %add3A_11 : vector<5120x1xf32>
    %get3A_12 = arith.constant 0 : index
    %get3A_13 = arith.constant 0 : index
    %get3A_14 = arith.constant 0 : index
    %get3A_15 = vector.load %arg1[%get3A_12, %get3A_13, %get3A_14] : memref<2x5120x128xf32, #tpu.memory_space<vmem>>, vector<1x5120x128xf32>
    %get3A_16 = vector.shape_cast %get3A_15 : vector<1x5120x128xf32> to vector<5120x128xf32>
    %get3A_17 = arith.constant 1 : index
    %get3A_18 = arith.constant 0 : index
    %get3A_19 = arith.constant 0 : index
    %get3A_20 = vector.load %arg1[%get3A_17, %get3A_18, %get3A_19] : memref<2x5120x128xf32, #tpu.memory_space<vmem>>, vector<1x5120x128xf32>
    %get3A_21 = vector.shape_cast %get3A_20 : vector<1x5120x128xf32> to vector<5120x128xf32>
    %add3A_22 = arith.addf %get3A_16, %get3A_21 : vector<5120x128xf32>
    %get3A_23 = arith.constant 0 : index
    %get3A_24 = arith.constant 0 : index
    %get3A_25 = vector.load %arg2[%get3A_23, %get3A_24] : memref<5120x128xf32, #tpu.memory_space<vmem>>, vector<5120x128xf32>
    %add3A_26 = arith.addf %add3A_22, %get3A_25 : vector<5120x128xf32>
    %mul3A = vector.broadcast %rsqrt3A : vector<5120x1xf32> to vector<5120x128xf32>
    %mul3A_27 = arith.mulf %mul3A, %add3A_26 : vector<5120x128xf32>
    %get3A_28 = arith.constant 0 : index
    %get3A_29 = arith.constant 0 : index
    %get3A_30 = vector.load %arg4[%get3A_28, %get3A_29] : memref<1x128xf32, #tpu.memory_space<vmem>>, vector<1x128xf32>
    %add3A_31 = vector.broadcast %get3A_30 : vector<1x128xf32> to vector<5120x128xf32>
    %add3A_32 = arith.addf %mul3A_27, %add3A_31 : vector<5120x128xf32>
    %swap3A = arith.constant 0 : index
    %swap3A_33 = arith.constant 0 : index
    %swap3A_34 = vector.load %arg8[%swap3A, %swap3A_33] : memref<5120x128xf32, #tpu.memory_space<vmem>>, vector<5120x128xf32>
    tpu.vector_store %arg8[%swap3A, %swap3A_33], %add3A_32 {strides = array<i32>} : memref<5120x128xf32, #tpu.memory_space<vmem>>, vector<5120x128xf32>,
    %iota3A = tpu.iota {dimensions = array<i32: 1>} : vector<1x64xi32>
    %get3A_35 = arith.constant 0 : index
    %get3A_36 = arith.constant 0 : index
    %get3A_37 = vector.load %arg5[%get3A_35, %get3A_36] : memref<5120x1xi32, #tpu.memory_space<vmem>>, vector<5120x1xi32>
    %eq3A = vector.broadcast %get3A_37 : vector<5120x1xi32> to vector<5120x64xi32>
    %eq3A_38 = vector.broadcast %iota3A : vector<1x64xi32> to vector<5120x64xi32>
    %eq3A_39 = arith.cmpi eq, %eq3A, %eq3A_38 : vector<5120x64xi32>
    %convert_element_type3A = arith.extui %eq3A_39 : vector<5120x64xi1> to vector<5120x64xi32>
    %convert_element_type3A_40 = arith.sitofp %convert_element_type3A : vector<5120x64xi32> to vector<5120x64xf32>
    %dot_general3A = arith.constant dense<0.000000e+00> : vector<64x128xf32>
    %dot_general3A_41 = tpu.matmul %convert_element_type3A_40, %add3A_32, %dot_general3A {dimension_numbers = #tpu.dot_dimension_numbers<[0], [0], [1], [1], [0, 1, 1, 1], [], []>, transpose_lhs_hint = false} : vector<5120x64xf32>, vector<5120x128xf32>, vector<64x128xf32> -> vector<64x128xf32>
    %broadcast_in_dim3A = arith.constant 1.000000e+00 : f32
    %broadcast_in_dim3A_42 = vector.broadcast %broadcast_in_dim3A : f32 to vector<5120x128xf32>
    %dot_general3A_43 = arith.constant dense<0.000000e+00> : vector<64x128xf32>
    %dot_general3A_44 = tpu.matmul %convert_element_type3A_40, %broadcast_in_dim3A_42, %dot_general3A_43 {dimension_numbers = #tpu.dot_dimension_numbers<[0], [0], [1], [1], [0, 1, 1, 1], [], []>, transpose_lhs_hint = false} : vector<5120x64xf32>, vector<5120x128xf32>, vector<64x128xf32> -> vector<64x128xf32>
    %eq3A_45 = arith.constant 0 : i32
    %eq3A_46 = arith.cmpi eq, %arg0, %eq3A_45 : i32
    %convert_element_type3A_47 = arith.extui %eq3A_46 : i1 to i32
    %cond3A = arith.constant 0 : i32
    %cond3A_48 = arith.cmpi ne, %convert_element_type3A_47, %cond3A : i32
    scf.if %cond3A_48 {
      %broadcast_in_dim3A_68 = arith.constant 0.000000e+00 : f32
      %broadcast_in_dim3A_69 = vector.broadcast %broadcast_in_dim3A_68 : f32 to vector<64x128xf32>
      %swap3A_70 = arith.constant 0 : index
      %swap3A_71 = arith.constant 0 : index
      %swap3A_72 = vector.load %arg11[%swap3A_70, %swap3A_71] : memref<64x128xf32, #tpu.memory_space<vmem>>, vector<64x128xf32>
      tpu.vector_store %arg11[%swap3A_70, %swap3A_71], %broadcast_in_dim3A_69 {strides = array<i32>} : memref<64x128xf32, #tpu.memory_space<vmem>>, vector<64x128xf32>,
      %broadcast_in_dim3A_73 = arith.constant 0.000000e+00 : f32
      %broadcast_in_dim3A_74 = vector.broadcast %broadcast_in_dim3A_73 : f32 to vector<64x128xf32>
      %swap3A_75 = arith.constant 0 : index
      %swap3A_76 = arith.constant 0 : index
      %swap3A_77 = vector.load %arg12[%swap3A_75, %swap3A_76] : memref<64x128xf32, #tpu.memory_space<vmem>>, vector<64x128xf32>
      tpu.vector_store %arg12[%swap3A_75, %swap3A_76], %broadcast_in_dim3A_74 {strides = array<i32>} : memref<64x128xf32, #tpu.memory_space<vmem>>, vector<64x128xf32>,
    } else {
    }
    %get3A_49 = arith.constant 0 : index
    %get3A_50 = arith.constant 0 : index
    %get3A_51 = vector.load %arg11[%get3A_49, %get3A_50] : memref<64x128xf32, #tpu.memory_space<vmem>>, vector<64x128xf32>
    %add3A_52 = arith.addf %get3A_51, %dot_general3A_41 : vector<64x128xf32>
    %swap3A_53 = arith.constant 0 : index
    %swap3A_54 = arith.constant 0 : index
    %swap3A_55 = vector.load %arg11[%swap3A_53, %swap3A_54] : memref<64x128xf32, #tpu.memory_space<vmem>>, vector<64x128xf32>
    tpu.vector_store %arg11[%swap3A_53, %swap3A_54], %add3A_52 {strides = array<i32>} : memref<64x128xf32, #tpu.memory_space<vmem>>, vector<64x128xf32>,
    %get3A_56 = arith.constant 0 : index
    %get3A_57 = arith.constant 0 : index
    %get3A_58 = vector.load %arg12[%get3A_56, %get3A_57] : memref<64x128xf32, #tpu.memory_space<vmem>>, vector<64x128xf32>
    %add3A_59 = arith.addf %get3A_58, %dot_general3A_44 : vector<64x128xf32>
    %swap3A_60 = arith.constant 0 : index
    %swap3A_61 = arith.constant 0 : index
    %swap3A_62 = vector.load %arg12[%swap3A_60, %swap3A_61] : memref<64x128xf32, #tpu.memory_space<vmem>>, vector<64x128xf32>
    tpu.vector_store %arg12[%swap3A_60, %swap3A_61], %add3A_59 {strides = array<i32>} : memref<64x128xf32, #tpu.memory_space<vmem>>, vector<64x128xf32>,
    %eq3A_63 = arith.constant 1 : i32
    %eq3A_64 = arith.cmpi eq, %arg0, %eq3A_63 : i32
    %convert_element_type3A_65 = arith.extui %eq3A_64 : i1 to i32
    %cond3A_66 = arith.constant 0 : i32
    %cond3A_67 = arith.cmpi ne, %convert_element_type3A_65, %cond3A_66 : i32
    scf.if %cond3A_67 {
      %get3A_68 = arith.constant 0 : index
      %get3A_69 = arith.constant 0 : index
      %get3A_70 = vector.load %arg11[%get3A_68, %get3A_69] : memref<64x128xf32, #tpu.memory_space<vmem>>, vector<64x128xf32>
      %get3A_71 = arith.constant 0 : index
      %get3A_72 = arith.constant 0 : index
      %get3A_73 = vector.load %arg12[%get3A_71, %get3A_72] : memref<64x128xf32, #tpu.memory_space<vmem>>, vector<64x128xf32>
      %max3A = arith.constant 1.000000e+00 : f32
      %max3A_74 = vector.broadcast %max3A : f32 to vector<64x128xf32>
      %max3A_75 = arith.maximumf %get3A_73, %max3A_74 : vector<64x128xf32>
      %div3A = arith.divf %get3A_70, %max3A_75 : vector<64x128xf32>
      %swap3A_76 = arith.constant 0 : index
      %swap3A_77 = arith.constant 0 : index
      %swap3A_78 = vector.load %arg9[%swap3A_76, %swap3A_77] : memref<64x128xf32, #tpu.memory_space<vmem>>, vector<64x128xf32>
      tpu.vector_store %arg9[%swap3A_76, %swap3A_77], %div3A {strides = array<i32>} : memref<64x128xf32, #tpu.memory_space<vmem>>, vector<64x128xf32>,
      %get3A_79 = arith.constant 0 : index
      %get3A_80 = arith.constant 0 : index
      %get3A_81 = vector.load %arg6[%get3A_79, %get3A_80] : memref<2x128xf32, #tpu.memory_space<vmem>>, vector<2x128xf32>
      %dot_general3A_82 = arith.constant dense<0.000000e+00> : vector<64x2xf32>
      %dot_general3A_83 = tpu.matmul %div3A, %get3A_81, %dot_general3A_82 {dimension_numbers = #tpu.dot_dimension_numbers<[1], [1], [0], [0], [0, 0, 1, 0], [], []>, transpose_lhs_hint = false} : vector<64x128xf32>, vector<2x128xf32>, vector<64x2xf32> -> vector<64x2xf32>
      %get3A_84 = arith.constant 0 : index
      %get3A_85 = arith.constant 0 : index
      %get3A_86 = vector.load %arg7[%get3A_84, %get3A_85] : memref<1x2xf32, #tpu.memory_space<vmem>>, vector<1x2xf32>
      %add3A_87 = vector.broadcast %get3A_86 : vector<1x2xf32> to vector<64x2xf32>
      %add3A_88 = arith.addf %dot_general3A_83, %add3A_87 : vector<64x2xf32>
      %swap3A_89 = arith.constant 0 : index
      %swap3A_90 = arith.constant 0 : index
      %swap3A_91 = vector.load %arg10[%swap3A_89, %swap3A_90] : memref<64x2xf32, #tpu.memory_space<vmem>>, vector<64x2xf32>
      tpu.vector_store %arg10[%swap3A_89, %swap3A_90], %add3A_88 {strides = array<i32>} : memref<64x2xf32, #tpu.memory_space<vmem>>, vector<64x2xf32>,
    } else {
    }
    return
  }
  func.func @transform_0(%arg0: i32) -> (i32, i32, i32) {
    %c0_i32 = arith.constant 0 : i32
    %c0_i32_0 = arith.constant 0 : i32
    %c0_i32_1 = arith.constant 0 : i32
    return %c0_i32, %arg0, %c0_i32_0 : i32, i32, i32
  }
  func.func @transform_1(%arg0: i32) -> (i32, i32) {
    %c0_i32 = arith.constant 0 : i32
    %c0_i32_0 = arith.constant 0 : i32
    return %arg0, %c0_i32 : i32, i32
  }
  func.func @transform_2(%arg0: i32) -> (i32, i32, i32) {
    %c0_i32 = arith.constant 0 : i32
    %c0_i32_0 = arith.constant 0 : i32
    %c0_i32_1 = arith.constant 0 : i32
    return %c0_i32, %arg0, %c0_i32_0 : i32, i32, i32
  }
  func.func @transform_3(%arg0: i32) -> (i32, i32) {
    %c0_i32 = arith.constant 0 : i32
    %c0_i32_0 = arith.constant 0 : i32
    %c0_i32_1 = arith.constant 0 : i32
    return %c0_i32, %c0_i32_0 : i32, i32
  }
  func.func @transform_4(%arg0: i32) -> (i32, i32) {
    %c0_i32 = arith.constant 0 : i32
    %c0_i32_0 = arith.constant 0 : i32
    return %arg0, %c0_i32 : i32, i32
  }
  func.func @transform_5(%arg0: i32) -> (i32, i32) {
    %c0_i32 = arith.constant 0 : i32
    %c0_i32_0 = arith.constant 0 : i32
    %c0_i32_1 = arith.constant 0 : i32
    return %c0_i32, %c0_i32_0 : i32, i32
  }
  func.func @transform_6(%arg0: i32) -> (i32, i32) {
    %c0_i32 = arith.constant 0 : i32
    %c0_i32_0 = arith.constant 0 : i32
    %c0_i32_1 = arith.constant 0 : i32
    return %c0_i32, %c0_i32_0 : i32, i32
  }
  func.func @transform_7(%arg0: i32) -> (i32, i32) {
    %c0_i32 = arith.constant 0 : i32
    %c0_i32_0 = arith.constant 0 : i32
    return %arg0, %c0_i32 : i32, i32
  }
  func.func @transform_8(%arg0: i32) -> (i32, i32) {
    %c0_i32 = arith.constant 0 : i32
    %c0_i32_0 = arith.constant 0 : i32
    %c0_i32_1 = arith.constant 0 : i32
    return %c0_i32, %c0_i32_0 : i32, i32
  }
  func.func @transform_9(%arg0: i32) -> (i32, i32) {
    %c0_i32 = arith.constant 0 : i32
    %c0_i32_0 = arith.constant 0 : i32
    %c0_i32_1 = arith.constant 0 : i32
    return %c0_i32, %c0_i32_0 : i32, i32
  }
}

</mosaic_0001>

<sc_bundles>
// kernel: kernel.10.cloned.1.call-start
scs
__scs_entry_jumppad:
0x0: {  	(pc) =	sbr.rel $0x88, $3  }
0x1: {  	(tag) =	ssettag $0x0;
	lr =	simm.s32 $0x1  }
0x2: {  	[smem:$0x3F96] =	sst lr;
	_ =	strace $0xD0000000  }
0x3: {  	_ = 	snop  }
0x4: {  	_ = 	snop  }
0x5: {  	_ = 	snop  }
0x6: {  	_ = 	snop  }
0x7: {  	_ = 	snop  }
__scs_overlays_trampoline_lowered:
0x8: {  	[smem:$0x3FA5] =	sst s0  }
0x9: {  	[smem:$0x3FA6] =	sst s1  }
0xa: {  	[smem:$0x3FA7] =	sst s2  }
0xb: {  	[smem:$0x3FA8] =	sst s3  }
0xc: {  	[smem:$0x3FA9] =	sst s4  }
0xd: {  	[smem:$0x3FAA] =	sst s5  }
0xe: {  	[smem:$0x3FAB] =	sst s6  }
0xf: {  	[smem:$0x3FAC] =	sst s7  }
0x10: {  	[smem:$0x3FAD] =	sst s8  }
0x11: {  	[smem:$0x3FAE] =	sst s9;
	s0 =	simm.s32 @!p0 $0x0  }
0x12: {  	s1 =	sld [smem:$0x3F94];
	s0 =	simm.s32 @p0 $0x1  }
0x13: {  	[smem:$0x3FAF] =	sst s0;
	s0 =	simm.s32 @!p1 $0x0  }
0x14: {  	s2 =	sld [smem:$0x3F93];
	s0 =	simm.s32 @p1 $0x1  }
0x15: {  	[smem:$0x3FB0] =	sst s0;
	s0 =	simm.s32 @!p2 $0x0  }
0x16: {  	s3 =	sld [smem:$0x3FDB];
	s0 =	simm.s32 @p2 $0x1  }
0x17: {  	s4 =	simm.s32 $0x1BF5;
	[smem:$0x3FB2] =	sst s0  }
0x18: {  	s0 =	sld [smem:$0x3F95];
	_ =	swait.ge [sflag:s4], $0x0  }
0x19: {  	s7 =	sld [smem:$0x3F96]  }
0x1a: {  	s8 =	sadd.s32 $0xFFFFE003, lr  }
0x1b: {  	s9 =	sadd.s32 $0xFFFFFEF7, lr;
	s5 =	simm.s32 $0xFFFFFFFF;
	p2 =	slt.u32 s8, $0xFFFFF086  }
0x1c: {  	p1 =	slt.u32 s9, $0xF7A;
	s5 =	simm.s32 @!p2 $0x0  }
0x1d: {  	s5 =	simm.s32 @p1 $0x1;
	p0 =	seq.s32 s7, s2  }
0x1e: {  	s7 =	smul.u32 @!p0 $0xF7A, s2;
	p2 =	seq.s32 @!p0 s5, $0x0  }
0x1f: {  	s9 =	smul.u32 $0xF7A, s1;
	s8 =	simm.s32 @!p0 $0x1BF5;
	p2 =	por !p2, p0  }
0x20: {  	[sflag:s8] =	ssyncset.s32 @!p0 $0xFFFFF086;
	s6 =	sadd.s32 @!p0 s3, s7;
	s7 =	simm.s32 @!p0 $0x108  }
0x21: {  	s3 =	sadd.s32 s3, s9;
	s6 =	sadd.s32 @!p0 $0x88, s6;
	s7 =	simm.s32 @p2 $0x1082  }
0x22: {  	[simem:s7], [sflag:s8] =	dma.local @!p0 [hbm:s6], $0xF7A  }
0x23: {  	s9 =	sor.u32 $0xD0000000, s2;
	s6 =	simm.s32 $0x108;
	_ =	swait.ge @!p0 [sflag:s8], $0x0  }
0x24: {  	s3 =	sadd.s32 $0x88, s3;
	s6 =	simm.s32 @!p1 $0x1082;
	[sflag:s4] =	ssyncset.s32 $0xFFFFF086  }
0x25: {  	[simem:s6], [sflag:s4] =	dma.local [hbm:s3], $0xF7A  }
0x26: {  	[smem:$0x3F96] =	sst s1;
	(tag) =	ssettag s2;
	_ =	strace s9  }
0x27: {  	s1 =	sld [smem:$0x3FA6]  }
0x28: {  	s2 =	sld [smem:$0x3FA7]  }
0x29: {  	s4 =	sld [smem:$0x3FA9]  }
0x2a: {  	p0 =	seq.s32 s5, $0x0;
	s5 =	sld [smem:$0x3FAA]  }
0x2b: {  	s6 =	sld [smem:$0x3FAB]  }
0x2c: {  	s7 =	sld [smem:$0x3FAC]  }
0x2d: {  	s3 =	simm.s32 $0x108;
	s8 =	sld [smem:$0x3FAD]  }
0x2e: {  	s3 =	simm.s32 @!p0 $0x1082;
	s9 =	sld [smem:$0x3FAE]  }
0x2f: {  	lr =	sadd.s32 s0, s3;
	s0 =	sld [smem:$0x3FA5]  }
0x30: {  	s3 =	sld [smem:$0x3FA8]  }
0x31: {  	[smem:$0x3FB1] =	sst s10  }
0x32: {  	s10 =	sld [smem:$0x3FAF];
	_ =	sdelay $0x3  }
0x33: {  	p0 =	seq.s32 s10, $0x1;
	s10 =	sld [smem:$0x3FB1];
	_ =	sdelay $0x3  }
0x34: {  	[smem:$0x3FB1] =	sst s10  }
0x35: {  	s10 =	sld [smem:$0x3FB0];
	_ =	sdelay $0x3  }
0x36: {  	p1 =	seq.s32 s10, $0x1;
	s10 =	sld [smem:$0x3FB1];
	_ =	sdelay $0x3  }
0x37: {  	[smem:$0x3FB1] =	sst s10  }
0x38: {  	s10 =	sld [smem:$0x3FB2]  }
0x39: {  	_ = 	snop;
	(pc) =	sbr.ind lr, $3  }
0x3a: {  	_ = 	snop  }
0x3b: {  	_ = 	snop  }
0x3c: {  	p2 =	seq.s32 s10, $0x1;
	s10 =	sld [smem:$0x3FB1]  }
0x3d: {  	_ =	shalt  }
0x3e: {  	_ =	shalt  }
0x3f: {  	_ =	shalt  }
0x40: {  	_ =	shalt  }
0x41: {  	_ =	shalt  }
0x42: {  	_ =	shalt  }
0x43: {  	_ =	shalt  }
0x44: {  	_ =	shalt  }
0x45: {  	_ =	shalt  }
0x46: {  	_ =	shalt  }
0x47: {  	_ =	shalt  }
0x48: {  	_ =	shalt  }
0x49: {  	_ =	shalt  }
0x4a: {  	_ =	shalt  }
0x4b: {  	_ =	shalt  }
0x4c: {  	_ =	shalt  }
0x4d: {  	_ =	shalt  }
0x4e: {  	_ =	shalt  }
0x4f: {  	_ =	shalt  }
0x50: {  	_ =	shalt  }
0x51: {  	_ =	shalt  }
0x52: {  	_ =	shalt  }
0x53: {  	_ =	shalt  }
0x54: {  	_ =	shalt  }
0x55: {  	_ =	shalt  }
0x56: {  	_ =	shalt  }
0x57: {  	_ =	shalt  }
0x58: {  	_ =	shalt  }
0x59: {  	_ =	shalt  }
0x5a: {  	_ =	shalt  }
0x5b: {  	_ =	shalt  }
0x5c: {  	_ =	shalt  }
0x5d: {  	_ =	shalt  }
0x5e: {  	_ =	shalt  }
0x5f: {  	_ =	shalt  }
0x60: {  	_ =	shalt  }
0x61: {  	_ =	shalt  }
0x62: {  	_ =	shalt  }
0x63: {  	_ =	shalt  }
0x64: {  	_ =	shalt  }
0x65: {  	_ =	shalt  }
0x66: {  	_ =	shalt  }
0x67: {  	_ =	shalt  }
0x68: {  	_ =	shalt  }
0x69: {  	_ =	shalt  }
0x6a: {  	_ =	shalt  }
0x6b: {  	_ =	shalt  }
0x6c: {  	_ =	shalt  }
0x6d: {  	_ =	shalt  }
0x6e: {  	_ =	shalt  }
0x6f: {  	_ =	shalt  }
0x70: {  	_ =	shalt  }
0x71: {  	_ =	shalt  }
0x72: {  	_ =	shalt  }
0x73: {  	_ =	shalt  }
0x74: {  	_ =	shalt  }
0x75: {  	_ =	shalt  }
0x76: {  	_ =	shalt  }
0x77: {  	_ =	shalt  }
0x78: {  	_ =	shalt  }
0x79: {  	_ =	shalt  }
0x7a: {  	_ =	shalt  }
0x7b: {  	_ =	shalt  }
0x7c: {  	_ =	shalt  }
0x7d: {  	_ =	shalt  }
0x7e: {  	_ =	shalt  }
0x7f: {  	_ =	shalt  }
0x80: {  	_ =	shalt  }
0x81: {  	_ =	shalt  }
0x82: {  	_ =	shalt  }
0x83: {  	_ =	shalt  }
0x84: {  	_ =	shalt  }
0x85: {  	_ =	shalt  }
0x86: {  	_ =	shalt  }
0x87: {  	_ =	shalt  }
.Lfunc_end0:
.L_simem_size_0:
called_computation_lowered:
.L_overlay_start_0:
0x88: {  	s2 =	sld [smem:$0x3FD9]  }
0x89: {  	s3 =	sld [smem:$0x3FFE];
	_ =	sdelay $0x1  }
0x8a: {  	s1 =	srdreg.scid  }
0x8b: {  	s0 =	sand.u32 $0x1, s1  }
0x8c: {  	s14 =	sshll.u32 s0, $0xA;
	s2 =	sadd.s32 s3, s2  }
0x8d: {  	s2 =	sadd.s32 s2, s14  }
0x8e: {  	[smem:$0x3FBD] =	sst s2  }
0x8f: {  	_ = 	snop  }
0x90: {  	s2 =	sld [smem:$0x3FD0];
	_ =	sdelay $0x2  }
0x91: {  	s15 =	simm.s32 $0xA;
	s4 =	simm.s32 $0x10  }
0x92: {  	[smem:s4], [sflag:s15] =	dma.local [hbm:s2], $0x1  }
0x93: {  	_ =	swait.eq [sflag:s15], $0x1  }
0x94: {  	[sflag:s15] =	ssyncset.done $0x0  }
0x95: {  	[sflag:s15] =	ssyncadd.s32 $0xFFFFFFFF  }
0x96: {  	s16 =	sld [smem:$0x13];
	(tm) =	ssettm $0x1  }
0x97: {  	s17 =	sld [smem:$0x3FFB];
	_ =	sdelay $0x3  }
0x98: {  	_ =	strace s17  }
0x99: {  	s3 =	sld [smem:$0x3FFC];
	_ =	sdelay $0x3  }
0x9a: {  	_ =	strace s3  }
0x9b: {  	s3 =	sld [smem:$0x3FFD];
	_ =	sdelay $0x3  }
0x9c: {  	_ =	strace s3  }
0x9d: {  	_ =	strace $0x8FFFFFFF  }
0x9e: {  	s18 =	sld [smem:$0x3FDB];
	_ =	sdelay $0x1  }
0x9f: {  	s19 =	simm.s32 $_scs_section_size  }
0xa0: {  	s5 =	simm.s32 $_size__tile_overlayer_lowered;
	s6 =	simm.s32 $_tile_overlayer_lowered  }
0xa1: {  	s22 =	simm.s32 $0x1BFF;
	s21 =	sshll.u32 s6, $0x1;
	s3 =	sadd.s32 s19, s18  }
0xa2: {  	s7 =	simm.s32 $0x0;
	s20 =	sshll.u32 s5, $0x1;
	s5 =	sadd.s32 s21, s3  }
0xa3: {  	[timem:s7], [sflag:s22] =	dma.local [hbm:s5], s20  }
0xa4: {  	_ =	swait.ge [sflag:s22], s20  }
0xa5: {  	s4 =	ssub.s32 $0x0, s20;
	[sflag:s22] =	ssyncset.done $0x0  }
0xa6: {  	[sflag:s22] =	ssyncadd.s32 s4;
	_ =	sdelay $0x1  }
0xa7: {  	s23 =	simm.s32 $0x1B8B  }
0xa8: {  	_ =	swait.ge [sflag:s23], $0x1  }
0xa9: {  	[sflag:s23] =	ssyncset.done $0x0  }
0xaa: {  	s25 =	simm.s32 $0x1B8E;
	s24 =	sld [smem:$0x3FFE];
	[sflag:s23] =	ssyncadd.s32 $0xFFFFFFFF  }
0xab: {  	s26 =	simm.s32 $execute0_lowered;
	[smem:$0x3FD2] =	sst s25  }
0xac: {  	s5 =	sshll.u32 s26, $0x1;
	_ =	strace $0x80000046;
	[dreg:$0x1] =	wrdreg $0xFFFFFFFF  }
0xad: {  	s28 =	simm.s32 $_size_execute0_lowered;
	s3 =	sadd.s32 s3, s5;
	[dreg:$0x0] =	wrdreg $0x0  }
0xae: {  	s5 =	sshll.u32 s28, $0x1;
	[dreg:$0x2] =	wrdreg s3  }
0xaf: {  	[dreg:$0x3] =	wrdreg s5  }
0xb0: {  	[dreg:$0x4] =	wrdreg $0xC0  }
0xb1: {  	_ =	task [dreg:s7], $0x5FFFF  }
0xb2: {  	[dreg:$0x1] =	wrdreg $0xFFFFFFFF  }
0xb3: {  	[dreg:$0x0] =	wrdreg $0x60  }
0xb4: {  	[dreg:$0x2] =	wrdreg s16  }
0xb5: {  	[dreg:$0x3] =	wrdreg s24  }
0xb6: {  	[dreg:$0x4] =	wrdreg $0x90000  }
0xb7: {  	[dreg:$0x5] =	wrdreg $0x9  }
0xb8: {  	_ =	task.clear_ibuf [dreg:s7], $0x6FFFF;
	_ =	strace $0x90000046  }
0xb9: {  	s29 =	simm.s32 $0x9;
	_ =	strace $0x80000048  }
0xba: {  	_ =	swait.ge [sflag:s29], $0x1  }
0xbb: {  	[sflag:s29] =	ssyncadd.s32 $0xFFFFFFFF  }
0xbc: {  	_ =	strace $0x90000048  }
0xbd: {  	_ =	sfence  }
0xbe: {  	s30 =	sld [smem:$0x0];
	_ =	sdelay $0x2  }
0xbf: {  	s31 =	sshll.u32 s1, $0xD;
	s1 =	sshrl.u32 s1, $0x2  }
0xc0: {  	s3 =	sand.u32 $0x4000, s31;
	s1 =	sadd.s32 s1, s30  }
0xc1: {  	s0 =	sor.u32 s3, s0;
	s1 =	sshll.u32 s1, $0x11  }
0xc2: {  	s0 =	sor.u32 s1, s0  }
0xc3: {  	s0 =	sadd.s32 $0x8F2B, s0  }
0xc4: {  	[sflag:s0] =	ssyncadd.remote.s32 $0x1  }
0xc5: {  	_ =	sfence.sel $0xFFFF  }
0xc6: {  	[dreg:$0x0] =	wrdreg $0xFFFFFFFF;
	(pc) =	sbr.abs _section_cstart, $3  }
0xc7: {  	[dreg:$0x1] =	wrdreg $0xFFFFFFFF  }
0xc8: {  	_ =	task.clear_ibuf [dreg:s7], $0x2FFFF;
	_ =	strace $0x9FFFFFFF  }
0xc9: {  	(tm) =	ssettm $0x7FFFFFFF  }
tec
execute0_lowered:
.L_overlay_start_1:
0x0: {  	(tag) =	ssettag $0x1  }
0x1: {  	s5 =	rddreg [dreg:$0x0]  }
0x2: {  	s4 =	rddreg [dreg:$0x1]  }
0x3: {  	s1 =	rddreg [dreg:$0x2];
	s2 =	srdreg.scid  }
0x4: {  	s0 =	rddreg [dreg:$0x3];
	s3 =	simm.s32 $0x0;
	s17 =	simm.s32 $0x7000  }
0x5: {  	s18 =	simm.s32 $0x1;
	s6 =	sand.u32 $0x1, s2;
	s2 =	stileid.u32  }
0x6: {  	s19 =	simm.s32 $0x40;
	[smem:$0x7FF] =	sst s3;
	s7 =	smul.u32 $0x140000, s6  }
0x7: {  	s20 =	simm.s32 $0x5000;
	s8 =	smul.u32 $0x14000, s2;
	_ =	strace $0x80000047  }
0x8: {  	s9 =	sshll.u32 s6, $0x4;
	s30 =	smul.u32 $0x50000, s2;
	s6 =	ssub.s32 $0x2, s6  }
0x9: {  	s21 =	sshll.u32 s2, $0x6;
	s29 =	sor.u32 s2, s9;
	s31 =	sshrl.u32 s6, $0x1  }
0xa: {  	s21 =	sor.u32 $0x1C01, s21;
	s7 =	sadd.s32 s8, s7;
	s8 =	smul.u32 $0xA00, s29  }
0xb: {  	s9 =	sshrl.u32 s30, $0x2;
	s10 =	ssub.s32 s6, s31;
	s7 =	sshrl.u32 s7, $0x3  }
0xc: {  	s7 =	sadd.s32 s7, s4;
	s4 =	sadd.s32 s9, s1;
	s5 =	sadd.s32 s5, s8  }
0xd: {  	s6 =	sadd.s32 $0x3E00, s7;
	s7 =	smax.u32 s10, $0x1;
	s8 =	sadd.s32 $0x2000, s4  }
0xe: {  	s9 =	sadd.s32 $0x4000, s4;
	s10 =	sadd.s32 $0x6000, s4;
	s11 =	sadd.s32 $0x8000, s4  }
0xf: {  	s12 =	sadd.s32 $0xA000, s4;
	s13 =	sadd.s32 $0xC000, s4;
	s14 =	sadd.s32 $0xE000, s4  }
0x10: {  	v0 =	vimm.f32 $1.000000000e+00;
	v1 =	vimm.f32 $0.0e+00;
	s15 =	sadd.s32 $0x10000, s4;
	s16 =	sadd.s32 $0x12000, s4;
	s22 =	sshrl.u32 s4, $0x3  }
.LBB2_1:
0x11: {  	s23 =	simm.s32 $0x200;
	s24 =	simm.s32 $0x0  }
.LBB2_2:
0x12: {  	p0 =	sne.s32 s23, $0x7E00;
	[tilespmem:s24+$0x5000] =	vst v0;
	s25 =	smov.u32 s23;
	s23 =	sadd.s32 $0x200, s23  }
.Ltmp0:
0x13: {  	[tilespmem:s24+$0x7000] =	vst v1;
	(pc) =	sbr.rel @p0 .LBB2_2-.Ltmp0, $2  }
0x14: {  	_ =	sdelay $0x2  }
0x15: {  	s24 =	sshra.s32 s25, $0x2  }
0x16: {  	[tilespmem:s24+$0x5000] =	vst v0  }
0x17: {  	[tilespmem:s24+$0x7000] =	vst v1  }
0x18: {  	[spmem:s4] =	stream.linear.scatter [tilespmem:s17], [sflag:$0x1], $0x2000, $0x38;
	[tilespmem:$0xB800] =	vst v63  }
0x19: {  	_ =	swait.ge [sflag:s18], $0x2000  }
0x1a: {  	[sflag:s18] =	ssyncset.done $0x0  }
0x1b: {  	[sflag:s18] =	ssyncadd.s32 $0xFFFFE000  }
0x1c: {  	[spmem:s8] =	stream.linear.scatter [tilespmem:s17], [sflag:$0x1], $0x2000, $0x38;
	[tilespmem:$0xB800] =	vst v63  }
0x1d: {  	_ =	swait.ge [sflag:s18], $0x2000  }
0x1e: {  	[sflag:s18] =	ssyncset.done $0x0  }
0x1f: {  	[sflag:s18] =	ssyncadd.s32 $0xFFFFE000  }
0x20: {  	[spmem:s9] =	stream.linear.scatter [tilespmem:s17], [sflag:$0x1], $0x2000, $0x38;
	[tilespmem:$0xB800] =	vst v63  }
0x21: {  	_ =	swait.ge [sflag:s18], $0x2000  }
0x22: {  	[sflag:s18] =	ssyncset.done $0x0  }
0x23: {  	[sflag:s18] =	ssyncadd.s32 $0xFFFFE000  }
0x24: {  	[spmem:s10] =	stream.linear.scatter [tilespmem:s17], [sflag:$0x1], $0x2000, $0x38;
	[tilespmem:$0xB800] =	vst v63  }
0x25: {  	_ =	swait.ge [sflag:s18], $0x2000  }
0x26: {  	[sflag:s18] =	ssyncset.done $0x0  }
0x27: {  	[sflag:s18] =	ssyncadd.s32 $0xFFFFE000  }
0x28: {  	[spmem:s11] =	stream.linear.scatter [tilespmem:s17], [sflag:$0x1], $0x2000, $0x38;
	[tilespmem:$0xB800] =	vst v63  }
0x29: {  	_ =	swait.ge [sflag:s18], $0x2000  }
0x2a: {  	[sflag:s18] =	ssyncset.done $0x0  }
0x2b: {  	[sflag:s18] =	ssyncadd.s32 $0xFFFFE000  }
0x2c: {  	[spmem:s12] =	stream.linear.scatter [tilespmem:s17], [sflag:$0x1], $0x2000, $0x38;
	[tilespmem:$0xB800] =	vst v63  }
0x2d: {  	_ =	swait.ge [sflag:s18], $0x2000  }
0x2e: {  	[sflag:s18] =	ssyncset.done $0x0  }
0x2f: {  	[sflag:s18] =	ssyncadd.s32 $0xFFFFE000  }
0x30: {  	[spmem:s13] =	stream.linear.scatter [tilespmem:s17], [sflag:$0x1], $0x2000, $0x38;
	[tilespmem:$0xB800] =	vst v63  }
0x31: {  	_ =	swait.ge [sflag:s18], $0x2000  }
0x32: {  	[sflag:s18] =	ssyncset.done $0x0  }
0x33: {  	[sflag:s18] =	ssyncadd.s32 $0xFFFFE000  }
0x34: {  	[spmem:s14] =	stream.linear.scatter [tilespmem:s17], [sflag:$0x1], $0x2000, $0x38;
	[tilespmem:$0xB800] =	vst v63  }
0x35: {  	_ =	swait.ge [sflag:s18], $0x2000  }
0x36: {  	[sflag:s18] =	ssyncset.done $0x0  }
0x37: {  	[sflag:s18] =	ssyncadd.s32 $0xFFFFE000  }
0x38: {  	[spmem:s15] =	stream.linear.scatter [tilespmem:s17], [sflag:$0x1], $0x2000, $0x38;
	[tilespmem:$0xB800] =	vst v63  }
0x39: {  	_ =	swait.ge [sflag:s18], $0x2000  }
0x3a: {  	[sflag:s18] =	ssyncset.done $0x0  }
0x3b: {  	[sflag:s18] =	ssyncadd.s32 $0xFFFFE000  }
0x3c: {  	[spmem:s16] =	stream.linear.scatter [tilespmem:s17], [sflag:$0x1], $0x2000, $0x38;
	[tilespmem:$0xB800] =	vst v63  }
0x3d: {  	_ =	swait.ge [sflag:s18], $0x2000  }
0x3e: {  	[sflag:s18] =	ssyncset.done $0x0  }
0x3f: {  	[sflag:s18] =	ssyncadd.s32 $0xFFFFE000  }
0x40: {  	s23 =	simm.s32 $0x0;
	[bflag:$0x0] =	sbarrier.arrive $0xFFFF  }
0x41: {  	[tilespmem:s23], [sflag:$0x1] =	stream.linear.gather [hbm4b:s5+s23], $0x4E80, $0x38;
	[tilespmem:$0xB800] =	vst v63  }
0x42: {  	_ =	swait.ge [sflag:s18], $0x4E80  }
0x43: {  	[sflag:s18] =	ssyncset.done $0x0  }
0x44: {  	s31 =	simm.s32 $0x0;
	[sflag:s18] =	ssyncadd.s32 $0xFFFFB180  }
0x45: {  	[spmem:s1] =	stream.indirect.scatter.add.f32 [tilespmem:s20], [sflag:$0x1], $0x10, s31, s19, $0xb8;
	[tilespmem:$0xB800] =	vst v63  }
0x46: {  	_ =	swait.ge [sflag:s18], $0x400  }
0x47: {  	s23 =	simm.s32 $0x200;
	[sflag:s18] =	ssyncset.done $0x0  }
.LBB2_4:
0x48: {  	s24 =	sshra.s32 s23, $0x2;
	[sflag:s18] =	ssyncadd.s32 $0xFFFFFC00;
	p0 =	sne.s32 s23, $0x13800  }
0x49: {  	[spmem:s1] =	stream.indirect.scatter.add.f32 [tilespmem:s20], [sflag:$0x1], $0x10, s24, s19, $0xb8;
	[tilespmem:$0xB800] =	vst v63  }
.Ltmp1:
0x4a: {  	_ = 	snop;
	(pc) =	sbr.rel @p0 .LBB2_4-.Ltmp1, $4  }
0x4b: {  	_ = 	snop  }
0x4c: {  	s23 =	sadd.s32 $0x200, s23  }
0x4d: {  	_ =	swait.ge [sflag:s18], $0x400  }
0x4e: {  	[sflag:s18] =	ssyncset.done $0x0  }
0x4f: {  	s3 =	sadd.s32 $0x1, s3  }
0x50: {  	[sflag:s18] =	ssyncadd.s32 $0xFFFFFC00;
	p0 =	sne.s32 s3, s7  }
.Ltmp2:
0x51: {  	[bflag:$0x0] =	sbarrier.arrive $0xFFFF;
	(pc) =	sbr.rel @p0 .LBB2_1-.Ltmp2, $4  }
0x52: {  	[hbm:s6], [sflag:s21] =	dma.local [spmem:s22], $0x2800  }
0x53: {  	_ =	swait.ge [sflag:s18], $0x2800  }
0x54: {  	[sflag:s18] =	ssyncset.done $0x0  }
0x55: {  	[sflag:s18] =	ssyncadd.s32 $0xFFFFD800  }
0x56: {  	_ =	sfence.sel $0x180000  }
0x57: {  	[bflag:$0x0] =	sbarrier.arrive $0xFFFF  }
0x58: {  	p0 =	sne.s32 s2, $0x0;
	_ =	strace $0x90000047  }
0x59: {  	s0 =	sadd.s32 @!p0 $0x100000, s0;
	[bflag:$0x2] =	sbarrier.arrive $0xFFFF  }
0x5a: {  	[sflag:s0] =	ssyncadd.tile.s32 @!p0 $0x1;
	_ =	shalt  }
.Lfunc_end2:
_tile_overlayer_lowered:
.L_overlay_start_2:
0x5b: {  	(tag) =	ssettag $0x2  }
0x5c: {  	s0 =	rddreg [dreg:$0x0];
	s2 =	stileid.u32  }
0x5d: {  	s1 =	rddreg [dreg:$0x1];
	p0 =	sne.s32 s2, $0x0  }
0x5e: {  	s3 =	rddreg [dreg:$0x2];
	[bflag:$0x3] =	sbarrier.arrive $0xFFFF;
	s2 =	simm.s32 @!p0 $0x1C01  }
0x5f: {  	[timem:s3], [sflag:s2] =	dma.local @!p0 [hbm:s0], s1  }
0x60: {  	s0 =	simm.s32 @!p0 $0x1  }
0x61: {  	_ =	swait.ge @!p0 [sflag:s0], s1  }
0x62: {  	s1 =	ssub.s32 @!p0 $0x0, s1;
	[sflag:s0] =	ssyncset.done @!p0 $0x0  }
0x63: {  	[sflag:s0] =	ssyncadd.s32 @!p0 s1  }
0x64: {  	[bflag:$0x3] =	sbarrier.arrive $0xFFFF  }
0x65: {  	_ =	shalt  }

// kernel: kernel.13.cloned.1.call-start
scs
__scs_entry_jumppad:
0x0: {  	(pc) =	sbr.rel $0x88, $3  }
0x1: {  	(tag) =	ssettag $0x0;
	lr =	simm.s32 $0x1  }
0x2: {  	[smem:$0x3F96] =	sst lr;
	_ =	strace $0xD0000000  }
0x3: {  	_ = 	snop  }
0x4: {  	_ = 	snop  }
0x5: {  	_ = 	snop  }
0x6: {  	_ = 	snop  }
0x7: {  	_ = 	snop  }
__scs_overlays_trampoline_lowered:
0x8: {  	[smem:$0x3FA5] =	sst s0  }
0x9: {  	[smem:$0x3FA6] =	sst s1  }
0xa: {  	[smem:$0x3FA7] =	sst s2  }
0xb: {  	[smem:$0x3FA8] =	sst s3  }
0xc: {  	[smem:$0x3FA9] =	sst s4  }
0xd: {  	[smem:$0x3FAA] =	sst s5  }
0xe: {  	[smem:$0x3FAB] =	sst s6  }
0xf: {  	[smem:$0x3FAC] =	sst s7  }
0x10: {  	[smem:$0x3FAD] =	sst s8  }
0x11: {  	[smem:$0x3FAE] =	sst s9;
	s0 =	simm.s32 @!p0 $0x0  }
0x12: {  	s1 =	sld [smem:$0x3F94];
	s0 =	simm.s32 @p0 $0x1  }
0x13: {  	[smem:$0x3FAF] =	sst s0;
	s0 =	simm.s32 @!p1 $0x0  }
0x14: {  	s2 =	sld [smem:$0x3F93];
	s0 =	simm.s32 @p1 $0x1  }
0x15: {  	[smem:$0x3FB0] =	sst s0;
	s0 =	simm.s32 @!p2 $0x0  }
0x16: {  	s3 =	sld [smem:$0x3FDB];
	s0 =	simm.s32 @p2 $0x1  }
0x17: {  	s4 =	simm.s32 $0x1BF5;
	[smem:$0x3FB2] =	sst s0  }
0x18: {  	s0 =	sld [smem:$0x3F95];
	_ =	swait.ge [sflag:s4], $0x0  }
0x19: {  	s7 =	sld [smem:$0x3F96]  }
0x1a: {  	s8 =	sadd.s32 $0xFFFFE003, lr  }
0x1b: {  	s9 =	sadd.s32 $0xFFFFFEF7, lr;
	s5 =	simm.s32 $0xFFFFFFFF;
	p2 =	slt.u32 s8, $0xFFFFF086  }
0x1c: {  	p1 =	slt.u32 s9, $0xF7A;
	s5 =	simm.s32 @!p2 $0x0  }
0x1d: {  	s5 =	simm.s32 @p1 $0x1;
	p0 =	seq.s32 s7, s2  }
0x1e: {  	s7 =	smul.u32 @!p0 $0xF7A, s2;
	p2 =	seq.s32 @!p0 s5, $0x0  }
0x1f: {  	s9 =	smul.u32 $0xF7A, s1;
	s8 =	simm.s32 @!p0 $0x1BF5;
	p2 =	por !p2, p0  }
0x20: {  	[sflag:s8] =	ssyncset.s32 @!p0 $0xFFFFF086;
	s6 =	sadd.s32 @!p0 s3, s7;
	s7 =	simm.s32 @!p0 $0x108  }
0x21: {  	s3 =	sadd.s32 s3, s9;
	s6 =	sadd.s32 @!p0 $0x88, s6;
	s7 =	simm.s32 @p2 $0x1082  }
0x22: {  	[simem:s7], [sflag:s8] =	dma.local @!p0 [hbm:s6], $0xF7A  }
0x23: {  	s9 =	sor.u32 $0xD0000000, s2;
	s6 =	simm.s32 $0x108;
	_ =	swait.ge @!p0 [sflag:s8], $0x0  }
0x24: {  	s3 =	sadd.s32 $0x88, s3;
	s6 =	simm.s32 @!p1 $0x1082;
	[sflag:s4] =	ssyncset.s32 $0xFFFFF086  }
0x25: {  	[simem:s6], [sflag:s4] =	dma.local [hbm:s3], $0xF7A  }
0x26: {  	[smem:$0x3F96] =	sst s1;
	(tag) =	ssettag s2;
	_ =	strace s9  }
0x27: {  	s1 =	sld [smem:$0x3FA6]  }
0x28: {  	s2 =	sld [smem:$0x3FA7]  }
0x29: {  	s4 =	sld [smem:$0x3FA9]  }
0x2a: {  	p0 =	seq.s32 s5, $0x0;
	s5 =	sld [smem:$0x3FAA]  }
0x2b: {  	s6 =	sld [smem:$0x3FAB]  }
0x2c: {  	s7 =	sld [smem:$0x3FAC]  }
0x2d: {  	s3 =	simm.s32 $0x108;
	s8 =	sld [smem:$0x3FAD]  }
0x2e: {  	s3 =	simm.s32 @!p0 $0x1082;
	s9 =	sld [smem:$0x3FAE]  }
0x2f: {  	lr =	sadd.s32 s0, s3;
	s0 =	sld [smem:$0x3FA5]  }
0x30: {  	s3 =	sld [smem:$0x3FA8]  }
0x31: {  	[smem:$0x3FB1] =	sst s10  }
0x32: {  	s10 =	sld [smem:$0x3FAF];
	_ =	sdelay $0x3  }
0x33: {  	p0 =	seq.s32 s10, $0x1;
	s10 =	sld [smem:$0x3FB1];
	_ =	sdelay $0x3  }
0x34: {  	[smem:$0x3FB1] =	sst s10  }
0x35: {  	s10 =	sld [smem:$0x3FB0];
	_ =	sdelay $0x3  }
0x36: {  	p1 =	seq.s32 s10, $0x1;
	s10 =	sld [smem:$0x3FB1];
	_ =	sdelay $0x3  }
0x37: {  	[smem:$0x3FB1] =	sst s10  }
0x38: {  	s10 =	sld [smem:$0x3FB2]  }
0x39: {  	_ = 	snop;
	(pc) =	sbr.ind lr, $3  }
0x3a: {  	_ = 	snop  }
0x3b: {  	_ = 	snop  }
0x3c: {  	p2 =	seq.s32 s10, $0x1;
	s10 =	sld [smem:$0x3FB1]  }
0x3d: {  	_ =	shalt  }
0x3e: {  	_ =	shalt  }
0x3f: {  	_ =	shalt  }
0x40: {  	_ =	shalt  }
0x41: {  	_ =	shalt  }
0x42: {  	_ =	shalt  }
0x43: {  	_ =	shalt  }
0x44: {  	_ =	shalt  }
0x45: {  	_ =	shalt  }
0x46: {  	_ =	shalt  }
0x47: {  	_ =	shalt  }
0x48: {  	_ =	shalt  }
0x49: {  	_ =	shalt  }
0x4a: {  	_ =	shalt  }
0x4b: {  	_ =	shalt  }
0x4c: {  	_ =	shalt  }
0x4d: {  	_ =	shalt  }
0x4e: {  	_ =	shalt  }
0x4f: {  	_ =	shalt  }
0x50: {  	_ =	shalt  }
0x51: {  	_ =	shalt  }
0x52: {  	_ =	shalt  }
0x53: {  	_ =	shalt  }
0x54: {  	_ =	shalt  }
0x55: {  	_ =	shalt  }
0x56: {  	_ =	shalt  }
0x57: {  	_ =	shalt  }
0x58: {  	_ =	shalt  }
0x59: {  	_ =	shalt  }
0x5a: {  	_ =	shalt  }
0x5b: {  	_ =	shalt  }
0x5c: {  	_ =	shalt  }
0x5d: {  	_ =	shalt  }
0x5e: {  	_ =	shalt  }
0x5f: {  	_ =	shalt  }
0x60: {  	_ =	shalt  }
0x61: {  	_ =	shalt  }
0x62: {  	_ =	shalt  }
0x63: {  	_ =	shalt  }
0x64: {  	_ =	shalt  }
0x65: {  	_ =	shalt  }
0x66: {  	_ =	shalt  }
0x67: {  	_ =	shalt  }
0x68: {  	_ =	shalt  }
0x69: {  	_ =	shalt  }
0x6a: {  	_ =	shalt  }
0x6b: {  	_ =	shalt  }
0x6c: {  	_ =	shalt  }
0x6d: {  	_ =	shalt  }
0x6e: {  	_ =	shalt  }
0x6f: {  	_ =	shalt  }
0x70: {  	_ =	shalt  }
0x71: {  	_ =	shalt  }
0x72: {  	_ =	shalt  }
0x73: {  	_ =	shalt  }
0x74: {  	_ =	shalt  }
0x75: {  	_ =	shalt  }
0x76: {  	_ =	shalt  }
0x77: {  	_ =	shalt  }
0x78: {  	_ =	shalt  }
0x79: {  	_ =	shalt  }
0x7a: {  	_ =	shalt  }
0x7b: {  	_ =	shalt  }
0x7c: {  	_ =	shalt  }
0x7d: {  	_ =	shalt  }
0x7e: {  	_ =	shalt  }
0x7f: {  	_ =	shalt  }
0x80: {  	_ =	shalt  }
0x81: {  	_ =	shalt  }
0x82: {  	_ =	shalt  }
0x83: {  	_ =	shalt  }
0x84: {  	_ =	shalt  }
0x85: {  	_ =	shalt  }
0x86: {  	_ =	shalt  }
0x87: {  	_ =	shalt  }
.Lfunc_end0:
.L_simem_size_0:
called_computation.1_lowered:
.L_overlay_start_0:
0x88: {  	s2 =	sld [smem:$0x3FD9]  }
0x89: {  	s3 =	sld [smem:$0x3FFE];
	_ =	sdelay $0x1  }
0x8a: {  	s1 =	srdreg.scid  }
0x8b: {  	s0 =	sand.u32 $0x1, s1  }
0x8c: {  	s14 =	sshll.u32 s0, $0xA;
	s2 =	sadd.s32 s3, s2  }
0x8d: {  	s2 =	sadd.s32 s2, s14  }
0x8e: {  	[smem:$0x3FBD] =	sst s2  }
0x8f: {  	_ = 	snop  }
0x90: {  	s2 =	sld [smem:$0x3FD0];
	_ =	sdelay $0x2  }
0x91: {  	s15 =	simm.s32 $0xA;
	s4 =	simm.s32 $0x10  }
0x92: {  	[smem:s4], [sflag:s15] =	dma.local [hbm:s2], $0x1  }
0x93: {  	_ =	swait.eq [sflag:s15], $0x1  }
0x94: {  	[sflag:s15] =	ssyncset.done $0x0  }
0x95: {  	[sflag:s15] =	ssyncadd.s32 $0xFFFFFFFF  }
0x96: {  	s16 =	sld [smem:$0x13];
	(tm) =	ssettm $0x1  }
0x97: {  	s17 =	sld [smem:$0x3FFB];
	_ =	sdelay $0x3  }
0x98: {  	_ =	strace s17  }
0x99: {  	s3 =	sld [smem:$0x3FFC];
	_ =	sdelay $0x3  }
0x9a: {  	_ =	strace s3  }
0x9b: {  	s3 =	sld [smem:$0x3FFD];
	_ =	sdelay $0x3  }
0x9c: {  	_ =	strace s3  }
0x9d: {  	_ =	strace $0x8FFFFFFF  }
0x9e: {  	s18 =	sld [smem:$0x3FDB];
	_ =	sdelay $0x1  }
0x9f: {  	s19 =	simm.s32 $_scs_section_size  }
0xa0: {  	s5 =	simm.s32 $_size__tile_overlayer_lowered;
	s6 =	simm.s32 $_tile_overlayer_lowered  }
0xa1: {  	s22 =	simm.s32 $0x1BFF;
	s21 =	sshll.u32 s6, $0x1;
	s3 =	sadd.s32 s19, s18  }
0xa2: {  	s7 =	simm.s32 $0x0;
	s20 =	sshll.u32 s5, $0x1;
	s5 =	sadd.s32 s21, s3  }
0xa3: {  	[timem:s7], [sflag:s22] =	dma.local [hbm:s5], s20  }
0xa4: {  	_ =	swait.ge [sflag:s22], s20  }
0xa5: {  	s4 =	ssub.s32 $0x0, s20;
	[sflag:s22] =	ssyncset.done $0x0  }
0xa6: {  	[sflag:s22] =	ssyncadd.s32 s4;
	_ =	sdelay $0x1  }
0xa7: {  	s23 =	simm.s32 $0x1B8B  }
0xa8: {  	_ =	swait.ge [sflag:s23], $0x1  }
0xa9: {  	[sflag:s23] =	ssyncset.done $0x0  }
0xaa: {  	s25 =	simm.s32 $0x1B8E;
	s24 =	sld [smem:$0x3FFE];
	[sflag:s23] =	ssyncadd.s32 $0xFFFFFFFF  }
0xab: {  	s26 =	simm.s32 $execute0_lowered;
	[smem:$0x3FD2] =	sst s25  }
0xac: {  	s5 =	sshll.u32 s26, $0x1;
	_ =	strace $0x80000049;
	[dreg:$0x1] =	wrdreg $0xFFFFFFFF  }
0xad: {  	s28 =	simm.s32 $_size_execute0_lowered;
	s3 =	sadd.s32 s3, s5;
	[dreg:$0x0] =	wrdreg $0x0  }
0xae: {  	s5 =	sshll.u32 s28, $0x1;
	[dreg:$0x2] =	wrdreg s3  }
0xaf: {  	[dreg:$0x3] =	wrdreg s5  }
0xb0: {  	[dreg:$0x4] =	wrdreg $0xC0  }
0xb1: {  	_ =	task [dreg:s7], $0x5FFFF  }
0xb2: {  	[dreg:$0x1] =	wrdreg $0xFFFFFFFF  }
0xb3: {  	[dreg:$0x0] =	wrdreg $0x60  }
0xb4: {  	[dreg:$0x2] =	wrdreg s24  }
0xb5: {  	[dreg:$0x3] =	wrdreg s16  }
0xb6: {  	[dreg:$0x4] =	wrdreg $0xC0000  }
0xb7: {  	[dreg:$0x5] =	wrdreg $0x9  }
0xb8: {  	_ =	task.clear_ibuf [dreg:s7], $0x6FFFF;
	_ =	strace $0x90000049  }
0xb9: {  	s29 =	simm.s32 $0x9;
	_ =	strace $0x8000004B  }
0xba: {  	_ =	swait.ge [sflag:s29], $0x1  }
0xbb: {  	[sflag:s29] =	ssyncadd.s32 $0xFFFFFFFF  }
0xbc: {  	_ =	strace $0x9000004B  }
0xbd: {  	_ =	sfence  }
0xbe: {  	s30 =	sld [smem:$0x0];
	_ =	sdelay $0x2  }
0xbf: {  	s31 =	sshll.u32 s1, $0xD;
	s1 =	sshrl.u32 s1, $0x2  }
0xc0: {  	s3 =	sand.u32 $0x4000, s31;
	s1 =	sadd.s32 s1, s30  }
0xc1: {  	s0 =	sor.u32 s3, s0;
	s1 =	sshll.u32 s1, $0x11  }
0xc2: {  	s0 =	sor.u32 s1, s0  }
0xc3: {  	s0 =	sadd.s32 $0x8F2B, s0  }
0xc4: {  	[sflag:s0] =	ssyncadd.remote.s32 $0x1  }
0xc5: {  	_ =	sfence.sel $0xFFFF  }
0xc6: {  	[dreg:$0x0] =	wrdreg $0xFFFFFFFF;
	(pc) =	sbr.abs _section_cstart, $3  }
0xc7: {  	[dreg:$0x1] =	wrdreg $0xFFFFFFFF  }
0xc8: {  	_ =	task.clear_ibuf [dreg:s7], $0x2FFFF;
	_ =	strace $0x9FFFFFFF  }
0xc9: {  	(tm) =	ssettm $0x7FFFFFFF  }
tec
execute0_lowered:
.L_overlay_start_1:
0x0: {  	(tag) =	ssettag $0x1  }
0x1: {  	s6 =	rddreg [dreg:$0x0]  }
0x2: {  	s7 =	rddreg [dreg:$0x1]  }
0x3: {  	s0 =	srdreg.scid;
	s2 =	rddreg [dreg:$0x2];
	s3 =	simm.s32 $0x0  }
0x4: {  	s19 =	simm.s32 $0xA000;
	s20 =	simm.s32 $0x2;
	s21 =	simm.s32 $0x5000  }
0x5: {  	s22 =	simm.s32 $0x40;
	s5 =	sand.u32 $0x1, s0;
	s0 =	stileid.u32  }
0x6: {  	s23 =	simm.s32 $0x1;
	[smem:$0x7FF] =	sst s3;
	s9 =	smul.u32 $0x140000, s5  }
0x7: {  	s4 =	sadd.s32 $0x67E00, s6;
	s1 =	sshll.u32 s5, $0x4;
	s10 =	smul.u32 $0x14000, s0  }
0x8: {  	s11 =	smul.u32 $0x50000, s0;
	s5 =	ssub.s32 $0x2, s5;
	s1 =	sor.u32 s0, s1  }
0x9: {  	s31 =	sshrl.u32 s5, $0x1;
	s8 =	smul.u32 $0xA00, s1;
	s1 =	rddreg [dreg:$0x3]  }
0xa: {  	_ =	strace $0x8000004A;
	s9 =	sadd.s32 s10, s9;
	s11 =	sshrl.u32 s11, $0x2  }
0xb: {  	s10 =	ssub.s32 s5, s31;
	s9 =	sshrl.u32 s9, $0x3;
	s5 =	sadd.s32 s11, s2  }
0xc: {  	s12 =	sadd.s32 s8, s6;
	s9 =	sadd.s32 s9, s6;
	s7 =	sadd.s32 s7, s8  }
0xd: {  	s11 =	sadd.s32 $0x4000, s5;
	s13 =	sadd.s32 $0x8000, s5;
	s14 =	sadd.s32 $0xA000, s5  }
0xe: {  	s15 =	sadd.s32 $0xC000, s5;
	s16 =	sadd.s32 $0xE000, s5;
	s17 =	sadd.s32 $0x10000, s5  }
0xf: {  	s18 =	sadd.s32 $0x12000, s5;
	s6 =	sadd.s32 $0x53E00, s12;
	s8 =	sadd.s32 $0x8FE00, s9  }
0x10: {  	v0 =	vimm.f32 $0.0e+00;
	s9 =	smax.u32 s10, $0x1;
	s10 =	sadd.s32 $0x2000, s5;
	s12 =	sadd.s32 $0x6000, s5  }
.LBB2_1:
0x11: {  	s24 =	simm.s32 $0x0;
	s25 =	simm.s32 $0x200  }
.LBB2_2:
0x12: {  	p0 =	sne.s32 s25, $0x7E00;
	[tilespmem:s24+$0xA070] =	vst v0  }
0x13: {  	[tilespmem:s24+$0xA000] =	vst v0  }
0x14: {  	[tilespmem:s24+$0xA010] =	vst v0  }
.Ltmp0:
0x15: {  	[tilespmem:s24+$0xA020] =	vst v0;
	(pc) =	sbr.rel @p0 .LBB2_2-.Ltmp0, $4  }
0x16: {  	[tilespmem:s24+$0xA030] =	vst v0  }
0x17: {  	[tilespmem:s24+$0xA040] =	vst v0  }
0x18: {  	[tilespmem:s24+$0xA050] =	vst v0  }
0x19: {  	[tilespmem:s24+$0xA060] =	vst v0;
	s24 =	sshra.s32 s25, $0x2;
	s25 =	sadd.s32 $0x200, s25  }
0x1a: {  	[tilespmem:s24+$0xA070] =	vst v0  }
0x1b: {  	[tilespmem:s24+$0xA000] =	vst v0  }
0x1c: {  	[tilespmem:s24+$0xA010] =	vst v0  }
0x1d: {  	[tilespmem:s24+$0xA020] =	vst v0  }
0x1e: {  	[tilespmem:s24+$0xA030] =	vst v0  }
0x1f: {  	[tilespmem:s24+$0xA040] =	vst v0  }
0x20: {  	[tilespmem:s24+$0xA050] =	vst v0  }
0x21: {  	[tilespmem:s24+$0xA060] =	vst v0  }
0x22: {  	[spmem:s5] =	stream.linear.scatter [tilespmem:s19], [sflag:$0x2], $0x2000, $0x38;
	v63 =	vld [tilespmem:$0x0]  }
0x23: {  	_ =	swait.ge [sflag:s20], $0x2000  }
0x24: {  	[sflag:s20] =	ssyncset.done $0x0  }
0x25: {  	[sflag:s20] =	ssyncadd.s32 $0xFFFFE000  }
0x26: {  	[spmem:s10] =	stream.linear.scatter [tilespmem:s19], [sflag:$0x2], $0x2000, $0x38;
	v63 =	vld [tilespmem:$0x0]  }
0x27: {  	_ =	swait.ge [sflag:s20], $0x2000  }
0x28: {  	[sflag:s20] =	ssyncset.done $0x0  }
0x29: {  	[sflag:s20] =	ssyncadd.s32 $0xFFFFE000  }
0x2a: {  	[spmem:s11] =	stream.linear.scatter [tilespmem:s19], [sflag:$0x2], $0x2000, $0x38;
	v63 =	vld [tilespmem:$0x0]  }
0x2b: {  	_ =	swait.ge [sflag:s20], $0x2000  }
0x2c: {  	[sflag:s20] =	ssyncset.done $0x0  }
0x2d: {  	[sflag:s20] =	ssyncadd.s32 $0xFFFFE000  }
0x2e: {  	[spmem:s12] =	stream.linear.scatter [tilespmem:s19], [sflag:$0x2], $0x2000, $0x38;
	v63 =	vld [tilespmem:$0x0]  }
0x2f: {  	_ =	swait.ge [sflag:s20], $0x2000  }
0x30: {  	[sflag:s20] =	ssyncset.done $0x0  }
0x31: {  	[sflag:s20] =	ssyncadd.s32 $0xFFFFE000  }
0x32: {  	[spmem:s13] =	stream.linear.scatter [tilespmem:s19], [sflag:$0x2], $0x2000, $0x38;
	v63 =	vld [tilespmem:$0x0]  }
0x33: {  	_ =	swait.ge [sflag:s20], $0x2000  }
0x34: {  	[sflag:s20] =	ssyncset.done $0x0  }
0x35: {  	[sflag:s20] =	ssyncadd.s32 $0xFFFFE000  }
0x36: {  	[spmem:s14] =	stream.linear.scatter [tilespmem:s19], [sflag:$0x2], $0x2000, $0x38;
	v63 =	vld [tilespmem:$0x0]  }
0x37: {  	_ =	swait.ge [sflag:s20], $0x2000  }
0x38: {  	[sflag:s20] =	ssyncset.done $0x0  }
0x39: {  	[sflag:s20] =	ssyncadd.s32 $0xFFFFE000  }
0x3a: {  	[spmem:s15] =	stream.linear.scatter [tilespmem:s19], [sflag:$0x2], $0x2000, $0x38;
	v63 =	vld [tilespmem:$0x0]  }
0x3b: {  	_ =	swait.ge [sflag:s20], $0x2000  }
0x3c: {  	[sflag:s20] =	ssyncset.done $0x0  }
0x3d: {  	[sflag:s20] =	ssyncadd.s32 $0xFFFFE000  }
0x3e: {  	[spmem:s16] =	stream.linear.scatter [tilespmem:s19], [sflag:$0x2], $0x2000, $0x38;
	v63 =	vld [tilespmem:$0x0]  }
0x3f: {  	_ =	swait.ge [sflag:s20], $0x2000  }
0x40: {  	[sflag:s20] =	ssyncset.done $0x0  }
0x41: {  	[sflag:s20] =	ssyncadd.s32 $0xFFFFE000  }
0x42: {  	[spmem:s17] =	stream.linear.scatter [tilespmem:s19], [sflag:$0x2], $0x2000, $0x38;
	v63 =	vld [tilespmem:$0x0]  }
0x43: {  	_ =	swait.ge [sflag:s20], $0x2000  }
0x44: {  	[sflag:s20] =	ssyncset.done $0x0  }
0x45: {  	[sflag:s20] =	ssyncadd.s32 $0xFFFFE000  }
0x46: {  	[spmem:s18] =	stream.linear.scatter [tilespmem:s19], [sflag:$0x2], $0x2000, $0x38;
	v63 =	vld [tilespmem:$0x0]  }
0x47: {  	_ =	swait.ge [sflag:s20], $0x2000  }
0x48: {  	[sflag:s20] =	ssyncset.done $0x0  }
0x49: {  	[sflag:s20] =	ssyncadd.s32 $0xFFFFE000  }
0x4a: {  	s29 =	simm.s32 $0x0;
	[bflag:$0x0] =	sbarrier.arrive $0xFFFF  }
0x4b: {  	[tilespmem:s29], [sflag:$0x2] =	stream.linear.gather [hbm4b:s6+s29], $0x4E80, $0x38;
	v63 =	vld [tilespmem:$0x0]  }
0x4c: {  	_ =	swait.ge [sflag:s20], $0x4E80  }
0x4d: {  	[sflag:s20] =	ssyncset.done $0x0  }
0x4e: {  	[sflag:s20] =	ssyncadd.s32 $0xFFFFB180  }
0x4f: {  	[tilespmem:s21], [sflag:$0x2] =	stream.linear.gather [hbm4b:s7+s29], $0x4E80, $0x38;
	v63 =	vld [tilespmem:$0x0]  }
0x50: {  	_ =	swait.ge [sflag:s20], $0x4E80  }
0x51: {  	[sflag:s20] =	ssyncset.done $0x0  }
0x52: {  	s30 =	simm.s32 $0x0;
	[sflag:s20] =	ssyncadd.s32 $0xFFFFB180  }
0x53: {  	[tilespmem:s19], [sflag:$0x1] =	stream.indirect.gather [hbm4b:s4+s22], $0x80, s30, s22, $0xb8;
	v63 =	vld [tilespmem:$0x0]  }
0x54: {  	_ =	swait.ge [sflag:s23], $0x2000  }
0x55: {  	[sflag:s23] =	ssyncset.done $0x0  }
0x56: {  	s31 =	simm.s32 $0x5000;
	[sflag:s23] =	ssyncadd.s32 $0xFFFFE000  }
0x57: {  	[spmem:s2] =	stream.indirect.scatter.add.f32 [tilespmem:s19], [sflag:$0x2], $0x80, s31, s22, $0xb8;
	v63 =	vld [tilespmem:$0x0]  }
0x58: {  	_ =	swait.ge [sflag:s20], $0x2000  }
0x59: {  	s24 =	simm.s32 $0x200;
	s25 =	simm.s32 $0x400;
	[sflag:s20] =	ssyncset.done $0x0  }
.LBB2_4:
0x5a: {  	s26 =	sshra.s32 s24, $0x2  }
0x5b: {  	[sflag:s20] =	ssyncadd.s32 $0xFFFFE000;
	s24 =	smov.u32 s25;
	s28 =	sadd.s32 $0x200, s25  }
0x5c: {  	[tilespmem:s19], [sflag:$0x1] =	stream.indirect.gather [hbm4b:s4+s22], $0x80, s26, s22, $0xb8;
	v63 =	vld [tilespmem:$0x0]  }
0x5d: {  	p0 =	sne.s32 s25, $0x13800;
	_ =	swait.ge [sflag:s23], $0x2000  }
.Ltmp1:
0x5e: {  	[sflag:s23] =	ssyncset.done $0x0;
	(pc) =	sbr.rel @p0 .LBB2_4-.Ltmp1, $4  }
0x5f: {  	s25 =	sadd.s32 $0x5000, s26;
	[sflag:s23] =	ssyncadd.s32 $0xFFFFE000  }
0x60: {  	[spmem:s2] =	stream.indirect.scatter.add.f32 [tilespmem:s19], [sflag:$0x2], $0x80, s25, s22, $0xb8;
	v63 =	vld [tilespmem:$0x0]  }
0x61: {  	_ =	swait.ge [sflag:s20], $0x2000  }
0x62: {  	s25 =	smov.u32 s28;
	[sflag:s20] =	ssyncset.done $0x0  }
0x63: {  	s24 =	sshra.s32 s24, $0x2;
	[sflag:s20] =	ssyncadd.s32 $0xFFFFE000  }
0x64: {  	[tilespmem:s19], [sflag:$0x1] =	stream.indirect.gather [hbm4b:s4+s22], $0x80, s24, s22, $0xb8;
	v63 =	vld [tilespmem:$0x0]  }
0x65: {  	_ =	swait.ge [sflag:s23], $0x2000  }
0x66: {  	[sflag:s23] =	ssyncset.done $0x0  }
0x67: {  	s24 =	sadd.s32 $0x5000, s24;
	[sflag:s23] =	ssyncadd.s32 $0xFFFFE000  }
0x68: {  	[spmem:s2] =	stream.indirect.scatter.add.f32 [tilespmem:s19], [sflag:$0x2], $0x80, s24, s22, $0xb8;
	v63 =	vld [tilespmem:$0x0]  }
0x69: {  	_ =	swait.ge [sflag:s20], $0x2000  }
0x6a: {  	s31 =	sshll.u32 s0, $0x6;
	s3 =	sadd.s32 $0x1, s3;
	[sflag:s20] =	ssyncset.done $0x0  }
0x6b: {  	s25 =	sshrl.u32 s5, $0x3;
	p0 =	sne.s32 s3, s9;
	[sflag:s20] =	ssyncadd.s32 $0xFFFFE000  }
.Ltmp2:
0x6c: {  	s24 =	sor.u32 $0x1C02, s31;
	[bflag:$0x0] =	sbarrier.arrive $0xFFFF;
	(pc) =	sbr.rel @p0 .LBB2_1-.Ltmp2, $4  }
0x6d: {  	[hbm:s8], [sflag:s24] =	dma.local [spmem:s25], $0x2800  }
0x6e: {  	_ =	swait.ge [sflag:s20], $0x2800  }
0x6f: {  	[sflag:s20] =	ssyncset.done $0x0  }
0x70: {  	[sflag:s20] =	ssyncadd.s32 $0xFFFFD800  }
0x71: {  	_ =	sfence.sel $0x180000  }
0x72: {  	[bflag:$0x0] =	sbarrier.arrive $0xFFFF  }
0x73: {  	p0 =	sne.s32 s0, $0x0;
	_ =	strace $0x9000004A  }
0x74: {  	s0 =	sadd.s32 @!p0 $0x100000, s1;
	[bflag:$0x2] =	sbarrier.arrive $0xFFFF  }
0x75: {  	[sflag:s0] =	ssyncadd.tile.s32 @!p0 $0x1;
	_ =	shalt  }
.Lfunc_end2:
_tile_overlayer_lowered:
.L_overlay_start_2:
0x76: {  	(tag) =	ssettag $0x2  }
0x77: {  	s0 =	rddreg [dreg:$0x0];
	s2 =	stileid.u32  }
0x78: {  	s1 =	rddreg [dreg:$0x1];
	p0 =	sne.s32 s2, $0x0  }
0x79: {  	s3 =	rddreg [dreg:$0x2];
	[bflag:$0x3] =	sbarrier.arrive $0xFFFF;
	s2 =	simm.s32 @!p0 $0x1C02  }
0x7a: {  	[timem:s3], [sflag:s2] =	dma.local @!p0 [hbm:s0], s1  }
0x7b: {  	s0 =	simm.s32 @!p0 $0x2  }
0x7c: {  	_ =	swait.ge @!p0 [sflag:s0], s1  }
0x7d: {  	s1 =	ssub.s32 @!p0 $0x0, s1;
	[sflag:s0] =	ssyncset.done @!p0 $0x0  }
0x7e: {  	[sflag:s0] =	ssyncadd.s32 @!p0 s1  }
0x7f: {  	[bflag:$0x3] =	sbarrier.arrive $0xFFFF  }
0x80: {  	_ =	shalt  }

// kernel: kernel.16.cloned.1.call-start
scs
__scs_entry_jumppad:
0x0: {  	(pc) =	sbr.rel $0x88, $3  }
0x1: {  	(tag) =	ssettag $0x0;
	lr =	simm.s32 $0x1  }
0x2: {  	[smem:$0x3F96] =	sst lr;
	_ =	strace $0xD0000000  }
0x3: {  	_ = 	snop  }
0x4: {  	_ = 	snop  }
0x5: {  	_ = 	snop  }
0x6: {  	_ = 	snop  }
0x7: {  	_ = 	snop  }
__scs_overlays_trampoline_lowered:
0x8: {  	[smem:$0x3FA5] =	sst s0  }
0x9: {  	[smem:$0x3FA6] =	sst s1  }
0xa: {  	[smem:$0x3FA7] =	sst s2  }
0xb: {  	[smem:$0x3FA8] =	sst s3  }
0xc: {  	[smem:$0x3FA9] =	sst s4  }
0xd: {  	[smem:$0x3FAA] =	sst s5  }
0xe: {  	[smem:$0x3FAB] =	sst s6  }
0xf: {  	[smem:$0x3FAC] =	sst s7  }
0x10: {  	[smem:$0x3FAD] =	sst s8  }
0x11: {  	[smem:$0x3FAE] =	sst s9;
	s0 =	simm.s32 @!p0 $0x0  }
0x12: {  	s1 =	sld [smem:$0x3F94];
	s0 =	simm.s32 @p0 $0x1  }
0x13: {  	[smem:$0x3FAF] =	sst s0;
	s0 =	simm.s32 @!p1 $0x0  }
0x14: {  	s2 =	sld [smem:$0x3F93];
	s0 =	simm.s32 @p1 $0x1  }
0x15: {  	[smem:$0x3FB0] =	sst s0;
	s0 =	simm.s32 @!p2 $0x0  }
0x16: {  	s3 =	sld [smem:$0x3FDB];
	s0 =	simm.s32 @p2 $0x1  }
0x17: {  	s4 =	simm.s32 $0x1BF5;
	[smem:$0x3FB2] =	sst s0  }
0x18: {  	s0 =	sld [smem:$0x3F95];
	_ =	swait.ge [sflag:s4], $0x0  }
0x19: {  	s7 =	sld [smem:$0x3F96]  }
0x1a: {  	s8 =	sadd.s32 $0xFFFFE003, lr  }
0x1b: {  	s9 =	sadd.s32 $0xFFFFFEF7, lr;
	s5 =	simm.s32 $0xFFFFFFFF;
	p2 =	slt.u32 s8, $0xFFFFF086  }
0x1c: {  	p1 =	slt.u32 s9, $0xF7A;
	s5 =	simm.s32 @!p2 $0x0  }
0x1d: {  	s5 =	simm.s32 @p1 $0x1;
	p0 =	seq.s32 s7, s2  }
0x1e: {  	s7 =	smul.u32 @!p0 $0xF7A, s2;
	p2 =	seq.s32 @!p0 s5, $0x0  }
0x1f: {  	s9 =	smul.u32 $0xF7A, s1;
	s8 =	simm.s32 @!p0 $0x1BF5;
	p2 =	por !p2, p0  }
0x20: {  	[sflag:s8] =	ssyncset.s32 @!p0 $0xFFFFF086;
	s6 =	sadd.s32 @!p0 s3, s7;
	s7 =	simm.s32 @!p0 $0x108  }
0x21: {  	s3 =	sadd.s32 s3, s9;
	s6 =	sadd.s32 @!p0 $0x88, s6;
	s7 =	simm.s32 @p2 $0x1082  }
0x22: {  	[simem:s7], [sflag:s8] =	dma.local @!p0 [hbm:s6], $0xF7A  }
0x23: {  	s9 =	sor.u32 $0xD0000000, s2;
	s6 =	simm.s32 $0x108;
	_ =	swait.ge @!p0 [sflag:s8], $0x0  }
0x24: {  	s3 =	sadd.s32 $0x88, s3;
	s6 =	simm.s32 @!p1 $0x1082;
	[sflag:s4] =	ssyncset.s32 $0xFFFFF086  }
0x25: {  	[simem:s6], [sflag:s4] =	dma.local [hbm:s3], $0xF7A  }
0x26: {  	[smem:$0x3F96] =	sst s1;
	(tag) =	ssettag s2;
	_ =	strace s9  }
0x27: {  	s1 =	sld [smem:$0x3FA6]  }
0x28: {  	s2 =	sld [smem:$0x3FA7]  }
0x29: {  	s4 =	sld [smem:$0x3FA9]  }
0x2a: {  	p0 =	seq.s32 s5, $0x0;
	s5 =	sld [smem:$0x3FAA]  }
0x2b: {  	s6 =	sld [smem:$0x3FAB]  }
0x2c: {  	s7 =	sld [smem:$0x3FAC]  }
0x2d: {  	s3 =	simm.s32 $0x108;
	s8 =	sld [smem:$0x3FAD]  }
0x2e: {  	s3 =	simm.s32 @!p0 $0x1082;
	s9 =	sld [smem:$0x3FAE]  }
0x2f: {  	lr =	sadd.s32 s0, s3;
	s0 =	sld [smem:$0x3FA5]  }
0x30: {  	s3 =	sld [smem:$0x3FA8]  }
0x31: {  	[smem:$0x3FB1] =	sst s10  }
0x32: {  	s10 =	sld [smem:$0x3FAF];
	_ =	sdelay $0x3  }
0x33: {  	p0 =	seq.s32 s10, $0x1;
	s10 =	sld [smem:$0x3FB1];
	_ =	sdelay $0x3  }
0x34: {  	[smem:$0x3FB1] =	sst s10  }
0x35: {  	s10 =	sld [smem:$0x3FB0];
	_ =	sdelay $0x3  }
0x36: {  	p1 =	seq.s32 s10, $0x1;
	s10 =	sld [smem:$0x3FB1];
	_ =	sdelay $0x3  }
0x37: {  	[smem:$0x3FB1] =	sst s10  }
0x38: {  	s10 =	sld [smem:$0x3FB2]  }
0x39: {  	_ = 	snop;
	(pc) =	sbr.ind lr, $3  }
0x3a: {  	_ = 	snop  }
0x3b: {  	_ = 	snop  }
0x3c: {  	p2 =	seq.s32 s10, $0x1;
	s10 =	sld [smem:$0x3FB1]  }
0x3d: {  	_ =	shalt  }
0x3e: {  	_ =	shalt  }
0x3f: {  	_ =	shalt  }
0x40: {  	_ =	shalt  }
0x41: {  	_ =	shalt  }
0x42: {  	_ =	shalt  }
0x43: {  	_ =	shalt  }
0x44: {  	_ =	shalt  }
0x45: {  	_ =	shalt  }
0x46: {  	_ =	shalt  }
0x47: {  	_ =	shalt  }
0x48: {  	_ =	shalt  }
0x49: {  	_ =	shalt  }
0x4a: {  	_ =	shalt  }
0x4b: {  	_ =	shalt  }
0x4c: {  	_ =	shalt  }
0x4d: {  	_ =	shalt  }
0x4e: {  	_ =	shalt  }
0x4f: {  	_ =	shalt  }
0x50: {  	_ =	shalt  }
0x51: {  	_ =	shalt  }
0x52: {  	_ =	shalt  }
0x53: {  	_ =	shalt  }
0x54: {  	_ =	shalt  }
0x55: {  	_ =	shalt  }
0x56: {  	_ =	shalt  }
0x57: {  	_ =	shalt  }
0x58: {  	_ =	shalt  }
0x59: {  	_ =	shalt  }
0x5a: {  	_ =	shalt  }
0x5b: {  	_ =	shalt  }
0x5c: {  	_ =	shalt  }
0x5d: {  	_ =	shalt  }
0x5e: {  	_ =	shalt  }
0x5f: {  	_ =	shalt  }
0x60: {  	_ =	shalt  }
0x61: {  	_ =	shalt  }
0x62: {  	_ =	shalt  }
0x63: {  	_ =	shalt  }
0x64: {  	_ =	shalt  }
0x65: {  	_ =	shalt  }
0x66: {  	_ =	shalt  }
0x67: {  	_ =	shalt  }
0x68: {  	_ =	shalt  }
0x69: {  	_ =	shalt  }
0x6a: {  	_ =	shalt  }
0x6b: {  	_ =	shalt  }
0x6c: {  	_ =	shalt  }
0x6d: {  	_ =	shalt  }
0x6e: {  	_ =	shalt  }
0x6f: {  	_ =	shalt  }
0x70: {  	_ =	shalt  }
0x71: {  	_ =	shalt  }
0x72: {  	_ =	shalt  }
0x73: {  	_ =	shalt  }
0x74: {  	_ =	shalt  }
0x75: {  	_ =	shalt  }
0x76: {  	_ =	shalt  }
0x77: {  	_ =	shalt  }
0x78: {  	_ =	shalt  }
0x79: {  	_ =	shalt  }
0x7a: {  	_ =	shalt  }
0x7b: {  	_ =	shalt  }
0x7c: {  	_ =	shalt  }
0x7d: {  	_ =	shalt  }
0x7e: {  	_ =	shalt  }
0x7f: {  	_ =	shalt  }
0x80: {  	_ =	shalt  }
0x81: {  	_ =	shalt  }
0x82: {  	_ =	shalt  }
0x83: {  	_ =	shalt  }
0x84: {  	_ =	shalt  }
0x85: {  	_ =	shalt  }
0x86: {  	_ =	shalt  }
0x87: {  	_ =	shalt  }
.Lfunc_end0:
.L_simem_size_0:
called_computation.2_lowered:
.L_overlay_start_0:
0x88: {  	s2 =	sld [smem:$0x3FD9]  }
0x89: {  	s3 =	sld [smem:$0x3FFE];
	_ =	sdelay $0x1  }
0x8a: {  	s1 =	srdreg.scid  }
0x8b: {  	s0 =	sand.u32 $0x1, s1  }
0x8c: {  	s14 =	sshll.u32 s0, $0xA;
	s2 =	sadd.s32 s3, s2  }
0x8d: {  	s2 =	sadd.s32 s2, s14  }
0x8e: {  	[smem:$0x3FBD] =	sst s2  }
0x8f: {  	_ = 	snop  }
0x90: {  	s2 =	sld [smem:$0x3FD0];
	_ =	sdelay $0x2  }
0x91: {  	s15 =	simm.s32 $0xA;
	s4 =	simm.s32 $0x10  }
0x92: {  	[smem:s4], [sflag:s15] =	dma.local [hbm:s2], $0x1  }
0x93: {  	_ =	swait.eq [sflag:s15], $0x1  }
0x94: {  	[sflag:s15] =	ssyncset.done $0x0  }
0x95: {  	[sflag:s15] =	ssyncadd.s32 $0xFFFFFFFF  }
0x96: {  	s16 =	sld [smem:$0x13];
	(tm) =	ssettm $0x1  }
0x97: {  	s17 =	sld [smem:$0x3FFB];
	_ =	sdelay $0x3  }
0x98: {  	_ =	strace s17  }
0x99: {  	s3 =	sld [smem:$0x3FFC];
	_ =	sdelay $0x3  }
0x9a: {  	_ =	strace s3  }
0x9b: {  	s3 =	sld [smem:$0x3FFD];
	_ =	sdelay $0x3  }
0x9c: {  	_ =	strace s3  }
0x9d: {  	_ =	strace $0x8FFFFFFF  }
0x9e: {  	s18 =	sld [smem:$0x3FDB];
	_ =	sdelay $0x1  }
0x9f: {  	s19 =	simm.s32 $_scs_section_size  }
0xa0: {  	s5 =	simm.s32 $_size__tile_overlayer_lowered;
	s6 =	simm.s32 $_tile_overlayer_lowered  }
0xa1: {  	s22 =	simm.s32 $0x1BFF;
	s21 =	sshll.u32 s6, $0x1;
	s3 =	sadd.s32 s19, s18  }
0xa2: {  	s7 =	simm.s32 $0x0;
	s20 =	sshll.u32 s5, $0x1;
	s5 =	sadd.s32 s21, s3  }
0xa3: {  	[timem:s7], [sflag:s22] =	dma.local [hbm:s5], s20  }
0xa4: {  	_ =	swait.ge [sflag:s22], s20  }
0xa5: {  	s4 =	ssub.s32 $0x0, s20;
	[sflag:s22] =	ssyncset.done $0x0  }
0xa6: {  	[sflag:s22] =	ssyncadd.s32 s4;
	_ =	sdelay $0x1  }
0xa7: {  	s23 =	simm.s32 $0x1B8B  }
0xa8: {  	_ =	swait.ge [sflag:s23], $0x1  }
0xa9: {  	[sflag:s23] =	ssyncset.done $0x0  }
0xaa: {  	s25 =	simm.s32 $0x1B8E;
	s24 =	sld [smem:$0x3FFE];
	[sflag:s23] =	ssyncadd.s32 $0xFFFFFFFF  }
0xab: {  	s26 =	simm.s32 $execute0_lowered;
	[smem:$0x3FD2] =	sst s25  }
0xac: {  	s5 =	sshll.u32 s26, $0x1;
	_ =	strace $0x8000004C;
	[dreg:$0x1] =	wrdreg $0xFFFFFFFF  }
0xad: {  	s28 =	simm.s32 $_size_execute0_lowered;
	s3 =	sadd.s32 s3, s5;
	[dreg:$0x0] =	wrdreg $0x0  }
0xae: {  	s5 =	sshll.u32 s28, $0x1;
	[dreg:$0x2] =	wrdreg s3  }
0xaf: {  	[dreg:$0x3] =	wrdreg s5  }
0xb0: {  	[dreg:$0x4] =	wrdreg $0xC0  }
0xb1: {  	_ =	task [dreg:s7], $0x5FFFF  }
0xb2: {  	[dreg:$0x1] =	wrdreg $0xFFFFFFFF  }
0xb3: {  	[dreg:$0x0] =	wrdreg $0x60  }
0xb4: {  	[dreg:$0x2] =	wrdreg s24  }
0xb5: {  	[dreg:$0x3] =	wrdreg s16  }
0xb6: {  	[dreg:$0x4] =	wrdreg $0xC0000  }
0xb7: {  	[dreg:$0x5] =	wrdreg $0x9  }
0xb8: {  	_ =	task.clear_ibuf [dreg:s7], $0x6FFFF;
	_ =	strace $0x9000004C  }
0xb9: {  	s29 =	simm.s32 $0x9;
	_ =	strace $0x8000004E  }
0xba: {  	_ =	swait.ge [sflag:s29], $0x1  }
0xbb: {  	[sflag:s29] =	ssyncadd.s32 $0xFFFFFFFF  }
0xbc: {  	_ =	strace $0x9000004E  }
0xbd: {  	_ =	sfence  }
0xbe: {  	s30 =	sld [smem:$0x0];
	_ =	sdelay $0x2  }
0xbf: {  	s31 =	sshll.u32 s1, $0xD;
	s1 =	sshrl.u32 s1, $0x2  }
0xc0: {  	s3 =	sand.u32 $0x4000, s31;
	s1 =	sadd.s32 s1, s30  }
0xc1: {  	s0 =	sor.u32 s3, s0;
	s1 =	sshll.u32 s1, $0x11  }
0xc2: {  	s0 =	sor.u32 s1, s0  }
0xc3: {  	s0 =	sadd.s32 $0x8F2B, s0  }
0xc4: {  	[sflag:s0] =	ssyncadd.remote.s32 $0x1  }
0xc5: {  	_ =	sfence.sel $0xFFFF  }
0xc6: {  	[dreg:$0x0] =	wrdreg $0xFFFFFFFF;
	(pc) =	sbr.abs _section_cstart, $3  }
0xc7: {  	[dreg:$0x1] =	wrdreg $0xFFFFFFFF  }
0xc8: {  	_ =	task.clear_ibuf [dreg:s7], $0x2FFFF;
	_ =	strace $0x9FFFFFFF  }
0xc9: {  	(tm) =	ssettm $0x7FFFFFFF  }
tec
execute0_lowered:
.L_overlay_start_1:
0x0: {  	(tag) =	ssettag $0x1  }
0x1: {  	s6 =	rddreg [dreg:$0x0]  }
0x2: {  	s7 =	rddreg [dreg:$0x1]  }
0x3: {  	s0 =	srdreg.scid;
	s2 =	rddreg [dreg:$0x2];
	s3 =	simm.s32 $0x0  }
0x4: {  	s19 =	simm.s32 $0xA000;
	s20 =	simm.s32 $0x2;
	s21 =	simm.s32 $0x5000  }
0x5: {  	s22 =	simm.s32 $0x40;
	s5 =	sand.u32 $0x1, s0;
	s0 =	stileid.u32  }
0x6: {  	s23 =	simm.s32 $0x1;
	[smem:$0x7FF] =	sst s3;
	s9 =	smul.u32 $0x140000, s5  }
0x7: {  	s4 =	sadd.s32 $0x67E00, s6;
	s1 =	sshll.u32 s5, $0x4;
	s10 =	smul.u32 $0x14000, s0  }
0x8: {  	s11 =	smul.u32 $0x50000, s0;
	s5 =	ssub.s32 $0x2, s5;
	s1 =	sor.u32 s0, s1  }
0x9: {  	s31 =	sshrl.u32 s5, $0x1;
	s8 =	smul.u32 $0xA00, s1;
	s1 =	rddreg [dreg:$0x3]  }
0xa: {  	_ =	strace $0x8000004D;
	s9 =	sadd.s32 s10, s9;
	s11 =	sshrl.u32 s11, $0x2  }
0xb: {  	s10 =	ssub.s32 s5, s31;
	s9 =	sshrl.u32 s9, $0x3;
	s5 =	sadd.s32 s11, s2  }
0xc: {  	s12 =	sadd.s32 s8, s6;
	s9 =	sadd.s32 s9, s6;
	s7 =	sadd.s32 s7, s8  }
0xd: {  	s11 =	sadd.s32 $0x4000, s5;
	s13 =	sadd.s32 $0x8000, s5;
	s14 =	sadd.s32 $0xA000, s5  }
0xe: {  	s15 =	sadd.s32 $0xC000, s5;
	s16 =	sadd.s32 $0xE000, s5;
	s17 =	sadd.s32 $0x10000, s5  }
0xf: {  	s18 =	sadd.s32 $0x12000, s5;
	s6 =	sadd.s32 $0x53E00, s12;
	s8 =	sadd.s32 $0x8FE00, s9  }
0x10: {  	v0 =	vimm.f32 $0.0e+00;
	s9 =	smax.u32 s10, $0x1;
	s10 =	sadd.s32 $0x2000, s5;
	s12 =	sadd.s32 $0x6000, s5  }
.LBB2_1:
0x11: {  	s24 =	simm.s32 $0x0;
	s25 =	simm.s32 $0x200  }
.LBB2_2:
0x12: {  	p0 =	sne.s32 s25, $0x7E00;
	[tilespmem:s24+$0xA070] =	vst v0  }
0x13: {  	[tilespmem:s24+$0xA000] =	vst v0  }
0x14: {  	[tilespmem:s24+$0xA010] =	vst v0  }
.Ltmp0:
0x15: {  	[tilespmem:s24+$0xA020] =	vst v0;
	(pc) =	sbr.rel @p0 .LBB2_2-.Ltmp0, $4  }
0x16: {  	[tilespmem:s24+$0xA030] =	vst v0  }
0x17: {  	[tilespmem:s24+$0xA040] =	vst v0  }
0x18: {  	[tilespmem:s24+$0xA050] =	vst v0  }
0x19: {  	[tilespmem:s24+$0xA060] =	vst v0;
	s24 =	sshra.s32 s25, $0x2;
	s25 =	sadd.s32 $0x200, s25  }
0x1a: {  	[tilespmem:s24+$0xA070] =	vst v0  }
0x1b: {  	[tilespmem:s24+$0xA000] =	vst v0  }
0x1c: {  	[tilespmem:s24+$0xA010] =	vst v0  }
0x1d: {  	[tilespmem:s24+$0xA020] =	vst v0  }
0x1e: {  	[tilespmem:s24+$0xA030] =	vst v0  }
0x1f: {  	[tilespmem:s24+$0xA040] =	vst v0  }
0x20: {  	[tilespmem:s24+$0xA050] =	vst v0  }
0x21: {  	[tilespmem:s24+$0xA060] =	vst v0  }
0x22: {  	[spmem:s5] =	stream.linear.scatter [tilespmem:s19], [sflag:$0x2], $0x2000, $0x38;
	v63 =	vld [tilespmem:$0x0]  }
0x23: {  	_ =	swait.ge [sflag:s20], $0x2000  }
0x24: {  	[sflag:s20] =	ssyncset.done $0x0  }
0x25: {  	[sflag:s20] =	ssyncadd.s32 $0xFFFFE000  }
0x26: {  	[spmem:s10] =	stream.linear.scatter [tilespmem:s19], [sflag:$0x2], $0x2000, $0x38;
	v63 =	vld [tilespmem:$0x0]  }
0x27: {  	_ =	swait.ge [sflag:s20], $0x2000  }
0x28: {  	[sflag:s20] =	ssyncset.done $0x0  }
0x29: {  	[sflag:s20] =	ssyncadd.s32 $0xFFFFE000  }
0x2a: {  	[spmem:s11] =	stream.linear.scatter [tilespmem:s19], [sflag:$0x2], $0x2000, $0x38;
	v63 =	vld [tilespmem:$0x0]  }
0x2b: {  	_ =	swait.ge [sflag:s20], $0x2000  }
0x2c: {  	[sflag:s20] =	ssyncset.done $0x0  }
0x2d: {  	[sflag:s20] =	ssyncadd.s32 $0xFFFFE000  }
0x2e: {  	[spmem:s12] =	stream.linear.scatter [tilespmem:s19], [sflag:$0x2], $0x2000, $0x38;
	v63 =	vld [tilespmem:$0x0]  }
0x2f: {  	_ =	swait.ge [sflag:s20], $0x2000  }
0x30: {  	[sflag:s20] =	ssyncset.done $0x0  }
0x31: {  	[sflag:s20] =	ssyncadd.s32 $0xFFFFE000  }
0x32: {  	[spmem:s13] =	stream.linear.scatter [tilespmem:s19], [sflag:$0x2], $0x2000, $0x38;
	v63 =	vld [tilespmem:$0x0]  }
0x33: {  	_ =	swait.ge [sflag:s20], $0x2000  }
0x34: {  	[sflag:s20] =	ssyncset.done $0x0  }
0x35: {  	[sflag:s20] =	ssyncadd.s32 $0xFFFFE000  }
0x36: {  	[spmem:s14] =	stream.linear.scatter [tilespmem:s19], [sflag:$0x2], $0x2000, $0x38;
	v63 =	vld [tilespmem:$0x0]  }
0x37: {  	_ =	swait.ge [sflag:s20], $0x2000  }
0x38: {  	[sflag:s20] =	ssyncset.done $0x0  }
0x39: {  	[sflag:s20] =	ssyncadd.s32 $0xFFFFE000  }
0x3a: {  	[spmem:s15] =	stream.linear.scatter [tilespmem:s19], [sflag:$0x2], $0x2000, $0x38;
	v63 =	vld [tilespmem:$0x0]  }
0x3b: {  	_ =	swait.ge [sflag:s20], $0x2000  }
0x3c: {  	[sflag:s20] =	ssyncset.done $0x0  }
0x3d: {  	[sflag:s20] =	ssyncadd.s32 $0xFFFFE000  }
0x3e: {  	[spmem:s16] =	stream.linear.scatter [tilespmem:s19], [sflag:$0x2], $0x2000, $0x38;
	v63 =	vld [tilespmem:$0x0]  }
0x3f: {  	_ =	swait.ge [sflag:s20], $0x2000  }
0x40: {  	[sflag:s20] =	ssyncset.done $0x0  }
0x41: {  	[sflag:s20] =	ssyncadd.s32 $0xFFFFE000  }
0x42: {  	[spmem:s17] =	stream.linear.scatter [tilespmem:s19], [sflag:$0x2], $0x2000, $0x38;
	v63 =	vld [tilespmem:$0x0]  }
0x43: {  	_ =	swait.ge [sflag:s20], $0x2000  }
0x44: {  	[sflag:s20] =	ssyncset.done $0x0  }
0x45: {  	[sflag:s20] =	ssyncadd.s32 $0xFFFFE000  }
0x46: {  	[spmem:s18] =	stream.linear.scatter [tilespmem:s19], [sflag:$0x2], $0x2000, $0x38;
	v63 =	vld [tilespmem:$0x0]  }
0x47: {  	_ =	swait.ge [sflag:s20], $0x2000  }
0x48: {  	[sflag:s20] =	ssyncset.done $0x0  }
0x49: {  	[sflag:s20] =	ssyncadd.s32 $0xFFFFE000  }
0x4a: {  	s29 =	simm.s32 $0x0;
	[bflag:$0x0] =	sbarrier.arrive $0xFFFF  }
0x4b: {  	[tilespmem:s29], [sflag:$0x2] =	stream.linear.gather [hbm4b:s6+s29], $0x4E80, $0x38;
	v63 =	vld [tilespmem:$0x0]  }
0x4c: {  	_ =	swait.ge [sflag:s20], $0x4E80  }
0x4d: {  	[sflag:s20] =	ssyncset.done $0x0  }
0x4e: {  	[sflag:s20] =	ssyncadd.s32 $0xFFFFB180  }
0x4f: {  	[tilespmem:s21], [sflag:$0x2] =	stream.linear.gather [hbm4b:s7+s29], $0x4E80, $0x38;
	v63 =	vld [tilespmem:$0x0]  }
0x50: {  	_ =	swait.ge [sflag:s20], $0x4E80  }
0x51: {  	[sflag:s20] =	ssyncset.done $0x0  }
0x52: {  	s30 =	simm.s32 $0x0;
	[sflag:s20] =	ssyncadd.s32 $0xFFFFB180  }
0x53: {  	[tilespmem:s19], [sflag:$0x1] =	stream.indirect.gather [hbm4b:s4+s22], $0x80, s30, s22, $0xb8;
	v63 =	vld [tilespmem:$0x0]  }
0x54: {  	_ =	swait.ge [sflag:s23], $0x2000  }
0x55: {  	[sflag:s23] =	ssyncset.done $0x0  }
0x56: {  	s31 =	simm.s32 $0x5000;
	[sflag:s23] =	ssyncadd.s32 $0xFFFFE000  }
0x57: {  	[spmem:s2] =	stream.indirect.scatter.add.f32 [tilespmem:s19], [sflag:$0x2], $0x80, s31, s22, $0xb8;
	v63 =	vld [tilespmem:$0x0]  }
0x58: {  	_ =	swait.ge [sflag:s20], $0x2000  }
0x59: {  	s24 =	simm.s32 $0x200;
	s25 =	simm.s32 $0x400;
	[sflag:s20] =	ssyncset.done $0x0  }
.LBB2_4:
0x5a: {  	s26 =	sshra.s32 s24, $0x2  }
0x5b: {  	[sflag:s20] =	ssyncadd.s32 $0xFFFFE000;
	s24 =	smov.u32 s25;
	s28 =	sadd.s32 $0x200, s25  }
0x5c: {  	[tilespmem:s19], [sflag:$0x1] =	stream.indirect.gather [hbm4b:s4+s22], $0x80, s26, s22, $0xb8;
	v63 =	vld [tilespmem:$0x0]  }
0x5d: {  	p0 =	sne.s32 s25, $0x13800;
	_ =	swait.ge [sflag:s23], $0x2000  }
.Ltmp1:
0x5e: {  	[sflag:s23] =	ssyncset.done $0x0;
	(pc) =	sbr.rel @p0 .LBB2_4-.Ltmp1, $4  }
0x5f: {  	s25 =	sadd.s32 $0x5000, s26;
	[sflag:s23] =	ssyncadd.s32 $0xFFFFE000  }
0x60: {  	[spmem:s2] =	stream.indirect.scatter.add.f32 [tilespmem:s19], [sflag:$0x2], $0x80, s25, s22, $0xb8;
	v63 =	vld [tilespmem:$0x0]  }
0x61: {  	_ =	swait.ge [sflag:s20], $0x2000  }
0x62: {  	s25 =	smov.u32 s28;
	[sflag:s20] =	ssyncset.done $0x0  }
0x63: {  	s24 =	sshra.s32 s24, $0x2;
	[sflag:s20] =	ssyncadd.s32 $0xFFFFE000  }
0x64: {  	[tilespmem:s19], [sflag:$0x1] =	stream.indirect.gather [hbm4b:s4+s22], $0x80, s24, s22, $0xb8;
	v63 =	vld [tilespmem:$0x0]  }
0x65: {  	_ =	swait.ge [sflag:s23], $0x2000  }
0x66: {  	[sflag:s23] =	ssyncset.done $0x0  }
0x67: {  	s24 =	sadd.s32 $0x5000, s24;
	[sflag:s23] =	ssyncadd.s32 $0xFFFFE000  }
0x68: {  	[spmem:s2] =	stream.indirect.scatter.add.f32 [tilespmem:s19], [sflag:$0x2], $0x80, s24, s22, $0xb8;
	v63 =	vld [tilespmem:$0x0]  }
0x69: {  	_ =	swait.ge [sflag:s20], $0x2000  }
0x6a: {  	s31 =	sshll.u32 s0, $0x6;
	s3 =	sadd.s32 $0x1, s3;
	[sflag:s20] =	ssyncset.done $0x0  }
0x6b: {  	s25 =	sshrl.u32 s5, $0x3;
	p0 =	sne.s32 s3, s9;
	[sflag:s20] =	ssyncadd.s32 $0xFFFFE000  }
.Ltmp2:
0x6c: {  	s24 =	sor.u32 $0x1C02, s31;
	[bflag:$0x0] =	sbarrier.arrive $0xFFFF;
	(pc) =	sbr.rel @p0 .LBB2_1-.Ltmp2, $4  }
0x6d: {  	[hbm:s8], [sflag:s24] =	dma.local [spmem:s25], $0x2800  }
0x6e: {  	_ =	swait.ge [sflag:s20], $0x2800  }
0x6f: {  	[sflag:s20] =	ssyncset.done $0x0  }
0x70: {  	[sflag:s20] =	ssyncadd.s32 $0xFFFFD800  }
0x71: {  	_ =	sfence.sel $0x180000  }
0x72: {  	[bflag:$0x0] =	sbarrier.arrive $0xFFFF  }
0x73: {  	p0 =	sne.s32 s0, $0x0;
	_ =	strace $0x9000004D  }
0x74: {  	s0 =	sadd.s32 @!p0 $0x100000, s1;
	[bflag:$0x2] =	sbarrier.arrive $0xFFFF  }
0x75: {  	[sflag:s0] =	ssyncadd.tile.s32 @!p0 $0x1;
	_ =	shalt  }
.Lfunc_end2:
_tile_overlayer_lowered:
.L_overlay_start_2:
0x76: {  	(tag) =	ssettag $0x2  }
0x77: {  	s0 =	rddreg [dreg:$0x0];
	s2 =	stileid.u32  }
0x78: {  	s1 =	rddreg [dreg:$0x1];
	p0 =	sne.s32 s2, $0x0  }
0x79: {  	s3 =	rddreg [dreg:$0x2];
	[bflag:$0x3] =	sbarrier.arrive $0xFFFF;
	s2 =	simm.s32 @!p0 $0x1C02  }
0x7a: {  	[timem:s3], [sflag:s2] =	dma.local @!p0 [hbm:s0], s1  }
0x7b: {  	s0 =	simm.s32 @!p0 $0x2  }
0x7c: {  	_ =	swait.ge @!p0 [sflag:s0], s1  }
0x7d: {  	s1 =	ssub.s32 @!p0 $0x0, s1;
	[sflag:s0] =	ssyncset.done @!p0 $0x0  }
0x7e: {  	[sflag:s0] =	ssyncadd.s32 @!p0 s1  }
0x7f: {  	[bflag:$0x3] =	sbarrier.arrive $0xFFFF  }
0x80: {  	_ =	shalt  }

// kernel: kernel.19.cloned.1.call-start
scs
__scs_entry_jumppad:
0x0: {  	(pc) =	sbr.rel $0x88, $3  }
0x1: {  	(tag) =	ssettag $0x0;
	lr =	simm.s32 $0x1  }
0x2: {  	[smem:$0x3F96] =	sst lr;
	_ =	strace $0xD0000000  }
0x3: {  	_ = 	snop  }
0x4: {  	_ = 	snop  }
0x5: {  	_ = 	snop  }
0x6: {  	_ = 	snop  }
0x7: {  	_ = 	snop  }
__scs_overlays_trampoline_lowered:
0x8: {  	[smem:$0x3FA5] =	sst s0  }
0x9: {  	[smem:$0x3FA6] =	sst s1  }
0xa: {  	[smem:$0x3FA7] =	sst s2  }
0xb: {  	[smem:$0x3FA8] =	sst s3  }
0xc: {  	[smem:$0x3FA9] =	sst s4  }
0xd: {  	[smem:$0x3FAA] =	sst s5  }
0xe: {  	[smem:$0x3FAB] =	sst s6  }
0xf: {  	[smem:$0x3FAC] =	sst s7  }
0x10: {  	[smem:$0x3FAD] =	sst s8  }
0x11: {  	[smem:$0x3FAE] =	sst s9;
	s0 =	simm.s32 @!p0 $0x0  }
0x12: {  	s1 =	sld [smem:$0x3F94];
	s0 =	simm.s32 @p0 $0x1  }
0x13: {  	[smem:$0x3FAF] =	sst s0;
	s0 =	simm.s32 @!p1 $0x0  }
0x14: {  	s2 =	sld [smem:$0x3F93];
	s0 =	simm.s32 @p1 $0x1  }
0x15: {  	[smem:$0x3FB0] =	sst s0;
	s0 =	simm.s32 @!p2 $0x0  }
0x16: {  	s3 =	sld [smem:$0x3FDB];
	s0 =	simm.s32 @p2 $0x1  }
0x17: {  	s4 =	simm.s32 $0x1BF5;
	[smem:$0x3FB2] =	sst s0  }
0x18: {  	s0 =	sld [smem:$0x3F95];
	_ =	swait.ge [sflag:s4], $0x0  }
0x19: {  	s7 =	sld [smem:$0x3F96]  }
0x1a: {  	s8 =	sadd.s32 $0xFFFFE003, lr  }
0x1b: {  	s9 =	sadd.s32 $0xFFFFFEF7, lr;
	s5 =	simm.s32 $0xFFFFFFFF;
	p2 =	slt.u32 s8, $0xFFFFF086  }
0x1c: {  	p1 =	slt.u32 s9, $0xF7A;
	s5 =	simm.s32 @!p2 $0x0  }
0x1d: {  	s5 =	simm.s32 @p1 $0x1;
	p0 =	seq.s32 s7, s2  }
0x1e: {  	s7 =	smul.u32 @!p0 $0xF7A, s2;
	p2 =	seq.s32 @!p0 s5, $0x0  }
0x1f: {  	s9 =	smul.u32 $0xF7A, s1;
	s8 =	simm.s32 @!p0 $0x1BF5;
	p2 =	por !p2, p0  }
0x20: {  	[sflag:s8] =	ssyncset.s32 @!p0 $0xFFFFF086;
	s6 =	sadd.s32 @!p0 s3, s7;
	s7 =	simm.s32 @!p0 $0x108  }
0x21: {  	s3 =	sadd.s32 s3, s9;
	s6 =	sadd.s32 @!p0 $0x88, s6;
	s7 =	simm.s32 @p2 $0x1082  }
0x22: {  	[simem:s7], [sflag:s8] =	dma.local @!p0 [hbm:s6], $0xF7A  }
0x23: {  	s9 =	sor.u32 $0xD0000000, s2;
	s6 =	simm.s32 $0x108;
	_ =	swait.ge @!p0 [sflag:s8], $0x0  }
0x24: {  	s3 =	sadd.s32 $0x88, s3;
	s6 =	simm.s32 @!p1 $0x1082;
	[sflag:s4] =	ssyncset.s32 $0xFFFFF086  }
0x25: {  	[simem:s6], [sflag:s4] =	dma.local [hbm:s3], $0xF7A  }
0x26: {  	[smem:$0x3F96] =	sst s1;
	(tag) =	ssettag s2;
	_ =	strace s9  }
0x27: {  	s1 =	sld [smem:$0x3FA6]  }
0x28: {  	s2 =	sld [smem:$0x3FA7]  }
0x29: {  	s4 =	sld [smem:$0x3FA9]  }
0x2a: {  	p0 =	seq.s32 s5, $0x0;
	s5 =	sld [smem:$0x3FAA]  }
0x2b: {  	s6 =	sld [smem:$0x3FAB]  }
0x2c: {  	s7 =	sld [smem:$0x3FAC]  }
0x2d: {  	s3 =	simm.s32 $0x108;
	s8 =	sld [smem:$0x3FAD]  }
0x2e: {  	s3 =	simm.s32 @!p0 $0x1082;
	s9 =	sld [smem:$0x3FAE]  }
0x2f: {  	lr =	sadd.s32 s0, s3;
	s0 =	sld [smem:$0x3FA5]  }
0x30: {  	s3 =	sld [smem:$0x3FA8]  }
0x31: {  	[smem:$0x3FB1] =	sst s10  }
0x32: {  	s10 =	sld [smem:$0x3FAF];
	_ =	sdelay $0x3  }
0x33: {  	p0 =	seq.s32 s10, $0x1;
	s10 =	sld [smem:$0x3FB1];
	_ =	sdelay $0x3  }
0x34: {  	[smem:$0x3FB1] =	sst s10  }
0x35: {  	s10 =	sld [smem:$0x3FB0];
	_ =	sdelay $0x3  }
0x36: {  	p1 =	seq.s32 s10, $0x1;
	s10 =	sld [smem:$0x3FB1];
	_ =	sdelay $0x3  }
0x37: {  	[smem:$0x3FB1] =	sst s10  }
0x38: {  	s10 =	sld [smem:$0x3FB2]  }
0x39: {  	_ = 	snop;
	(pc) =	sbr.ind lr, $3  }
0x3a: {  	_ = 	snop  }
0x3b: {  	_ = 	snop  }
0x3c: {  	p2 =	seq.s32 s10, $0x1;
	s10 =	sld [smem:$0x3FB1]  }
0x3d: {  	_ =	shalt  }
0x3e: {  	_ =	shalt  }
0x3f: {  	_ =	shalt  }
0x40: {  	_ =	shalt  }
0x41: {  	_ =	shalt  }
0x42: {  	_ =	shalt  }
0x43: {  	_ =	shalt  }
0x44: {  	_ =	shalt  }
0x45: {  	_ =	shalt  }
0x46: {  	_ =	shalt  }
0x47: {  	_ =	shalt  }
0x48: {  	_ =	shalt  }
0x49: {  	_ =	shalt  }
0x4a: {  	_ =	shalt  }
0x4b: {  	_ =	shalt  }
0x4c: {  	_ =	shalt  }
0x4d: {  	_ =	shalt  }
0x4e: {  	_ =	shalt  }
0x4f: {  	_ =	shalt  }
0x50: {  	_ =	shalt  }
0x51: {  	_ =	shalt  }
0x52: {  	_ =	shalt  }
0x53: {  	_ =	shalt  }
0x54: {  	_ =	shalt  }
0x55: {  	_ =	shalt  }
0x56: {  	_ =	shalt  }
0x57: {  	_ =	shalt  }
0x58: {  	_ =	shalt  }
0x59: {  	_ =	shalt  }
0x5a: {  	_ =	shalt  }
0x5b: {  	_ =	shalt  }
0x5c: {  	_ =	shalt  }
0x5d: {  	_ =	shalt  }
0x5e: {  	_ =	shalt  }
0x5f: {  	_ =	shalt  }
0x60: {  	_ =	shalt  }
0x61: {  	_ =	shalt  }
0x62: {  	_ =	shalt  }
0x63: {  	_ =	shalt  }
0x64: {  	_ =	shalt  }
0x65: {  	_ =	shalt  }
0x66: {  	_ =	shalt  }
0x67: {  	_ =	shalt  }
0x68: {  	_ =	shalt  }
0x69: {  	_ =	shalt  }
0x6a: {  	_ =	shalt  }
0x6b: {  	_ =	shalt  }
0x6c: {  	_ =	shalt  }
0x6d: {  	_ =	shalt  }
0x6e: {  	_ =	shalt  }
0x6f: {  	_ =	shalt  }
0x70: {  	_ =	shalt  }
0x71: {  	_ =	shalt  }
0x72: {  	_ =	shalt  }
0x73: {  	_ =	shalt  }
0x74: {  	_ =	shalt  }
0x75: {  	_ =	shalt  }
0x76: {  	_ =	shalt  }
0x77: {  	_ =	shalt  }
0x78: {  	_ =	shalt  }
0x79: {  	_ =	shalt  }
0x7a: {  	_ =	shalt  }
0x7b: {  	_ =	shalt  }
0x7c: {  	_ =	shalt  }
0x7d: {  	_ =	shalt  }
0x7e: {  	_ =	shalt  }
0x7f: {  	_ =	shalt  }
0x80: {  	_ =	shalt  }
0x81: {  	_ =	shalt  }
0x82: {  	_ =	shalt  }
0x83: {  	_ =	shalt  }
0x84: {  	_ =	shalt  }
0x85: {  	_ =	shalt  }
0x86: {  	_ =	shalt  }
0x87: {  	_ =	shalt  }
.Lfunc_end0:
.L_simem_size_0:
called_computation.3_lowered:
.L_overlay_start_0:
0x88: {  	s2 =	sld [smem:$0x3FD9]  }
0x89: {  	s3 =	sld [smem:$0x3FFE];
	_ =	sdelay $0x1  }
0x8a: {  	s1 =	srdreg.scid  }
0x8b: {  	s0 =	sand.u32 $0x1, s1  }
0x8c: {  	s14 =	sshll.u32 s0, $0xA;
	s2 =	sadd.s32 s3, s2  }
0x8d: {  	s2 =	sadd.s32 s2, s14  }
0x8e: {  	[smem:$0x3FBD] =	sst s2  }
0x8f: {  	_ = 	snop  }
0x90: {  	s2 =	sld [smem:$0x3FD0];
	_ =	sdelay $0x2  }
0x91: {  	s15 =	simm.s32 $0xA;
	s4 =	simm.s32 $0x10  }
0x92: {  	[smem:s4], [sflag:s15] =	dma.local [hbm:s2], $0x1  }
0x93: {  	_ =	swait.eq [sflag:s15], $0x1  }
0x94: {  	[sflag:s15] =	ssyncset.done $0x0  }
0x95: {  	[sflag:s15] =	ssyncadd.s32 $0xFFFFFFFF  }
0x96: {  	s16 =	sld [smem:$0x13];
	(tm) =	ssettm $0x1  }
0x97: {  	s17 =	sld [smem:$0x3FFB];
	_ =	sdelay $0x3  }
0x98: {  	_ =	strace s17  }
0x99: {  	s3 =	sld [smem:$0x3FFC];
	_ =	sdelay $0x3  }
0x9a: {  	_ =	strace s3  }
0x9b: {  	s3 =	sld [smem:$0x3FFD];
	_ =	sdelay $0x3  }
0x9c: {  	_ =	strace s3  }
0x9d: {  	_ =	strace $0x8FFFFFFF  }
0x9e: {  	s18 =	sld [smem:$0x3FDB];
	_ =	sdelay $0x1  }
0x9f: {  	s19 =	simm.s32 $_scs_section_size  }
0xa0: {  	s5 =	simm.s32 $_size__tile_overlayer_lowered;
	s6 =	simm.s32 $_tile_overlayer_lowered  }
0xa1: {  	s22 =	simm.s32 $0x1BFF;
	s21 =	sshll.u32 s6, $0x1;
	s3 =	sadd.s32 s19, s18  }
0xa2: {  	s7 =	simm.s32 $0x0;
	s20 =	sshll.u32 s5, $0x1;
	s5 =	sadd.s32 s21, s3  }
0xa3: {  	[timem:s7], [sflag:s22] =	dma.local [hbm:s5], s20  }
0xa4: {  	_ =	swait.ge [sflag:s22], s20  }
0xa5: {  	s4 =	ssub.s32 $0x0, s20;
	[sflag:s22] =	ssyncset.done $0x0  }
0xa6: {  	[sflag:s22] =	ssyncadd.s32 s4;
	_ =	sdelay $0x1  }
0xa7: {  	s23 =	simm.s32 $0x1B8B  }
0xa8: {  	_ =	swait.ge [sflag:s23], $0x1  }
0xa9: {  	[sflag:s23] =	ssyncset.done $0x0  }
0xaa: {  	s25 =	simm.s32 $0x1B8E;
	s24 =	sld [smem:$0x3FFE];
	[sflag:s23] =	ssyncadd.s32 $0xFFFFFFFF  }
0xab: {  	s26 =	simm.s32 $execute0_lowered;
	[smem:$0x3FD2] =	sst s25  }
0xac: {  	s5 =	sshll.u32 s26, $0x1;
	_ =	strace $0x8000004F;
	[dreg:$0x1] =	wrdreg $0xFFFFFFFF  }
0xad: {  	s28 =	simm.s32 $_size_execute0_lowered;
	s3 =	sadd.s32 s3, s5;
	[dreg:$0x0] =	wrdreg $0x0  }
0xae: {  	s5 =	sshll.u32 s28, $0x1;
	[dreg:$0x2] =	wrdreg s3  }
0xaf: {  	[dreg:$0x3] =	wrdreg s5  }
0xb0: {  	[dreg:$0x4] =	wrdreg $0xC0  }
0xb1: {  	_ =	task [dreg:s7], $0x5FFFF  }
0xb2: {  	[dreg:$0x1] =	wrdreg $0xFFFFFFFF  }
0xb3: {  	[dreg:$0x0] =	wrdreg $0x60  }
0xb4: {  	[dreg:$0x2] =	wrdreg s24  }
0xb5: {  	[dreg:$0x3] =	wrdreg s16  }
0xb6: {  	[dreg:$0x4] =	wrdreg $0xC0000  }
0xb7: {  	[dreg:$0x5] =	wrdreg $0x9  }
0xb8: {  	_ =	task.clear_ibuf [dreg:s7], $0x6FFFF;
	_ =	strace $0x9000004F  }
0xb9: {  	s29 =	simm.s32 $0x9;
	_ =	strace $0x80000051  }
0xba: {  	_ =	swait.ge [sflag:s29], $0x1  }
0xbb: {  	[sflag:s29] =	ssyncadd.s32 $0xFFFFFFFF  }
0xbc: {  	_ =	strace $0x90000051  }
0xbd: {  	_ =	sfence  }
0xbe: {  	s30 =	sld [smem:$0x0];
	_ =	sdelay $0x2  }
0xbf: {  	s31 =	sshll.u32 s1, $0xD;
	s1 =	sshrl.u32 s1, $0x2  }
0xc0: {  	s3 =	sand.u32 $0x4000, s31;
	s1 =	sadd.s32 s1, s30  }
0xc1: {  	s0 =	sor.u32 s3, s0;
	s1 =	sshll.u32 s1, $0x11  }
0xc2: {  	s0 =	sor.u32 s1, s0  }
0xc3: {  	s0 =	sadd.s32 $0x8F2B, s0  }
0xc4: {  	[sflag:s0] =	ssyncadd.remote.s32 $0x1  }
0xc5: {  	_ =	sfence.sel $0xFFFF  }
0xc6: {  	[dreg:$0x0] =	wrdreg $0xFFFFFFFF;
	(pc) =	sbr.abs _section_cstart, $3  }
0xc7: {  	[dreg:$0x1] =	wrdreg $0xFFFFFFFF  }
0xc8: {  	_ =	task.clear_ibuf [dreg:s7], $0x2FFFF;
	_ =	strace $0x9FFFFFFF  }
0xc9: {  	(tm) =	ssettm $0x7FFFFFFF  }
tec
execute0_lowered:
.L_overlay_start_1:
0x0: {  	(tag) =	ssettag $0x1  }
0x1: {  	s6 =	rddreg [dreg:$0x0]  }
0x2: {  	s7 =	rddreg [dreg:$0x1]  }
0x3: {  	s0 =	srdreg.scid;
	s2 =	rddreg [dreg:$0x2];
	s3 =	simm.s32 $0x0  }
0x4: {  	s19 =	simm.s32 $0xA000;
	s20 =	simm.s32 $0x2;
	s21 =	simm.s32 $0x5000  }
0x5: {  	s22 =	simm.s32 $0x40;
	s5 =	sand.u32 $0x1, s0;
	s0 =	stileid.u32  }
0x6: {  	s23 =	simm.s32 $0x1;
	[smem:$0x7FF] =	sst s3;
	s9 =	smul.u32 $0x140000, s5  }
0x7: {  	s4 =	sadd.s32 $0x67E00, s6;
	s1 =	sshll.u32 s5, $0x4;
	s10 =	smul.u32 $0x14000, s0  }
0x8: {  	s11 =	smul.u32 $0x50000, s0;
	s5 =	ssub.s32 $0x2, s5;
	s1 =	sor.u32 s0, s1  }
0x9: {  	s31 =	sshrl.u32 s5, $0x1;
	s8 =	smul.u32 $0xA00, s1;
	s1 =	rddreg [dreg:$0x3]  }
0xa: {  	_ =	strace $0x80000050;
	s9 =	sadd.s32 s10, s9;
	s11 =	sshrl.u32 s11, $0x2  }
0xb: {  	s10 =	ssub.s32 s5, s31;
	s9 =	sshrl.u32 s9, $0x3;
	s5 =	sadd.s32 s11, s2  }
0xc: {  	s12 =	sadd.s32 s8, s6;
	s9 =	sadd.s32 s9, s6;
	s7 =	sadd.s32 s7, s8  }
0xd: {  	s11 =	sadd.s32 $0x4000, s5;
	s13 =	sadd.s32 $0x8000, s5;
	s14 =	sadd.s32 $0xA000, s5  }
0xe: {  	s15 =	sadd.s32 $0xC000, s5;
	s16 =	sadd.s32 $0xE000, s5;
	s17 =	sadd.s32 $0x10000, s5  }
0xf: {  	s18 =	sadd.s32 $0x12000, s5;
	s6 =	sadd.s32 $0x53E00, s12;
	s8 =	sadd.s32 $0x8FE00, s9  }
0x10: {  	v0 =	vimm.f32 $0.0e+00;
	s9 =	smax.u32 s10, $0x1;
	s10 =	sadd.s32 $0x2000, s5;
	s12 =	sadd.s32 $0x6000, s5  }
.LBB2_1:
0x11: {  	s24 =	simm.s32 $0x0;
	s25 =	simm.s32 $0x200  }
.LBB2_2:
0x12: {  	p0 =	sne.s32 s25, $0x7E00;
	[tilespmem:s24+$0xA070] =	vst v0  }
0x13: {  	[tilespmem:s24+$0xA000] =	vst v0  }
0x14: {  	[tilespmem:s24+$0xA010] =	vst v0  }
.Ltmp0:
0x15: {  	[tilespmem:s24+$0xA020] =	vst v0;
	(pc) =	sbr.rel @p0 .LBB2_2-.Ltmp0, $4  }
0x16: {  	[tilespmem:s24+$0xA030] =	vst v0  }
0x17: {  	[tilespmem:s24+$0xA040] =	vst v0  }
0x18: {  	[tilespmem:s24+$0xA050] =	vst v0  }
0x19: {  	[tilespmem:s24+$0xA060] =	vst v0;
	s24 =	sshra.s32 s25, $0x2;
	s25 =	sadd.s32 $0x200, s25  }
0x1a: {  	[tilespmem:s24+$0xA070] =	vst v0  }
0x1b: {  	[tilespmem:s24+$0xA000] =	vst v0  }
0x1c: {  	[tilespmem:s24+$0xA010] =	vst v0  }
0x1d: {  	[tilespmem:s24+$0xA020] =	vst v0  }
0x1e: {  	[tilespmem:s24+$0xA030] =	vst v0  }
0x1f: {  	[tilespmem:s24+$0xA040] =	vst v0  }
0x20: {  	[tilespmem:s24+$0xA050] =	vst v0  }
0x21: {  	[tilespmem:s24+$0xA060] =	vst v0  }
0x22: {  	[spmem:s5] =	stream.linear.scatter [tilespmem:s19], [sflag:$0x2], $0x2000, $0x38;
	v63 =	vld [tilespmem:$0x0]  }
0x23: {  	_ =	swait.ge [sflag:s20], $0x2000  }
0x24: {  	[sflag:s20] =	ssyncset.done $0x0  }
0x25: {  	[sflag:s20] =	ssyncadd.s32 $0xFFFFE000  }
0x26: {  	[spmem:s10] =	stream.linear.scatter [tilespmem:s19], [sflag:$0x2], $0x2000, $0x38;
	v63 =	vld [tilespmem:$0x0]  }
0x27: {  	_ =	swait.ge [sflag:s20], $0x2000  }
0x28: {  	[sflag:s20] =	ssyncset.done $0x0  }
0x29: {  	[sflag:s20] =	ssyncadd.s32 $0xFFFFE000  }
0x2a: {  	[spmem:s11] =	stream.linear.scatter [tilespmem:s19], [sflag:$0x2], $0x2000, $0x38;
	v63 =	vld [tilespmem:$0x0]  }
0x2b: {  	_ =	swait.ge [sflag:s20], $0x2000  }
0x2c: {  	[sflag:s20] =	ssyncset.done $0x0  }
0x2d: {  	[sflag:s20] =	ssyncadd.s32 $0xFFFFE000  }
0x2e: {  	[spmem:s12] =	stream.linear.scatter [tilespmem:s19], [sflag:$0x2], $0x2000, $0x38;
	v63 =	vld [tilespmem:$0x0]  }
0x2f: {  	_ =	swait.ge [sflag:s20], $0x2000  }
0x30: {  	[sflag:s20] =	ssyncset.done $0x0  }
0x31: {  	[sflag:s20] =	ssyncadd.s32 $0xFFFFE000  }
0x32: {  	[spmem:s13] =	stream.linear.scatter [tilespmem:s19], [sflag:$0x2], $0x2000, $0x38;
	v63 =	vld [tilespmem:$0x0]  }
0x33: {  	_ =	swait.ge [sflag:s20], $0x2000  }
0x34: {  	[sflag:s20] =	ssyncset.done $0x0  }
0x35: {  	[sflag:s20] =	ssyncadd.s32 $0xFFFFE000  }
0x36: {  	[spmem:s14] =	stream.linear.scatter [tilespmem:s19], [sflag:$0x2], $0x2000, $0x38;
	v63 =	vld [tilespmem:$0x0]  }
0x37: {  	_ =	swait.ge [sflag:s20], $0x2000  }
0x38: {  	[sflag:s20] =	ssyncset.done $0x0  }
0x39: {  	[sflag:s20] =	ssyncadd.s32 $0xFFFFE000  }
0x3a: {  	[spmem:s15] =	stream.linear.scatter [tilespmem:s19], [sflag:$0x2], $0x2000, $0x38;
	v63 =	vld [tilespmem:$0x0]  }
0x3b: {  	_ =	swait.ge [sflag:s20], $0x2000  }
0x3c: {  	[sflag:s20] =	ssyncset.done $0x0  }
0x3d: {  	[sflag:s20] =	ssyncadd.s32 $0xFFFFE000  }
0x3e: {  	[spmem:s16] =	stream.linear.scatter [tilespmem:s19], [sflag:$0x2], $0x2000, $0x38;
	v63 =	vld [tilespmem:$0x0]  }
0x3f: {  	_ =	swait.ge [sflag:s20], $0x2000  }
0x40: {  	[sflag:s20] =	ssyncset.done $0x0  }
0x41: {  	[sflag:s20] =	ssyncadd.s32 $0xFFFFE000  }
0x42: {  	[spmem:s17] =	stream.linear.scatter [tilespmem:s19], [sflag:$0x2], $0x2000, $0x38;
	v63 =	vld [tilespmem:$0x0]  }
0x43: {  	_ =	swait.ge [sflag:s20], $0x2000  }
0x44: {  	[sflag:s20] =	ssyncset.done $0x0  }
0x45: {  	[sflag:s20] =	ssyncadd.s32 $0xFFFFE000  }
0x46: {  	[spmem:s18] =	stream.linear.scatter [tilespmem:s19], [sflag:$0x2], $0x2000, $0x38;
	v63 =	vld [tilespmem:$0x0]  }
0x47: {  	_ =	swait.ge [sflag:s20], $0x2000  }
0x48: {  	[sflag:s20] =	ssyncset.done $0x0  }
0x49: {  	[sflag:s20] =	ssyncadd.s32 $0xFFFFE000  }
0x4a: {  	s29 =	simm.s32 $0x0;
	[bflag:$0x0] =	sbarrier.arrive $0xFFFF  }
0x4b: {  	[tilespmem:s29], [sflag:$0x2] =	stream.linear.gather [hbm4b:s6+s29], $0x4E80, $0x38;
	v63 =	vld [tilespmem:$0x0]  }
0x4c: {  	_ =	swait.ge [sflag:s20], $0x4E80  }
0x4d: {  	[sflag:s20] =	ssyncset.done $0x0  }
0x4e: {  	[sflag:s20] =	ssyncadd.s32 $0xFFFFB180  }
0x4f: {  	[tilespmem:s21], [sflag:$0x2] =	stream.linear.gather [hbm4b:s7+s29], $0x4E80, $0x38;
	v63 =	vld [tilespmem:$0x0]  }
0x50: {  	_ =	swait.ge [sflag:s20], $0x4E80  }
0x51: {  	[sflag:s20] =	ssyncset.done $0x0  }
0x52: {  	s30 =	simm.s32 $0x0;
	[sflag:s20] =	ssyncadd.s32 $0xFFFFB180  }
0x53: {  	[tilespmem:s19], [sflag:$0x1] =	stream.indirect.gather [hbm4b:s4+s22], $0x80, s30, s22, $0xb8;
	v63 =	vld [tilespmem:$0x0]  }
0x54: {  	_ =	swait.ge [sflag:s23], $0x2000  }
0x55: {  	[sflag:s23] =	ssyncset.done $0x0  }
0x56: {  	s31 =	simm.s32 $0x5000;
	[sflag:s23] =	ssyncadd.s32 $0xFFFFE000  }
0x57: {  	[spmem:s2] =	stream.indirect.scatter.add.f32 [tilespmem:s19], [sflag:$0x2], $0x80, s31, s22, $0xb8;
	v63 =	vld [tilespmem:$0x0]  }
0x58: {  	_ =	swait.ge [sflag:s20], $0x2000  }
0x59: {  	s24 =	simm.s32 $0x200;
	s25 =	simm.s32 $0x400;
	[sflag:s20] =	ssyncset.done $0x0  }
.LBB2_4:
0x5a: {  	s26 =	sshra.s32 s24, $0x2  }
0x5b: {  	[sflag:s20] =	ssyncadd.s32 $0xFFFFE000;
	s24 =	smov.u32 s25;
	s28 =	sadd.s32 $0x200, s25  }
0x5c: {  	[tilespmem:s19], [sflag:$0x1] =	stream.indirect.gather [hbm4b:s4+s22], $0x80, s26, s22, $0xb8;
	v63 =	vld [tilespmem:$0x0]  }
0x5d: {  	p0 =	sne.s32 s25, $0x13800;
	_ =	swait.ge [sflag:s23], $0x2000  }
.Ltmp1:
0x5e: {  	[sflag:s23] =	ssyncset.done $0x0;
	(pc) =	sbr.rel @p0 .LBB2_4-.Ltmp1, $4  }
0x5f: {  	s25 =	sadd.s32 $0x5000, s26;
	[sflag:s23] =	ssyncadd.s32 $0xFFFFE000  }
0x60: {  	[spmem:s2] =	stream.indirect.scatter.add.f32 [tilespmem:s19], [sflag:$0x2], $0x80, s25, s22, $0xb8;
	v63 =	vld [tilespmem:$0x0]  }
0x61: {  	_ =	swait.ge [sflag:s20], $0x2000  }
0x62: {  	s25 =	smov.u32 s28;
	[sflag:s20] =	ssyncset.done $0x0  }
0x63: {  	s24 =	sshra.s32 s24, $0x2;
	[sflag:s20] =	ssyncadd.s32 $0xFFFFE000  }
0x64: {  	[tilespmem:s19], [sflag:$0x1] =	stream.indirect.gather [hbm4b:s4+s22], $0x80, s24, s22, $0xb8;
	v63 =	vld [tilespmem:$0x0]  }
0x65: {  	_ =	swait.ge [sflag:s23], $0x2000  }
0x66: {  	[sflag:s23] =	ssyncset.done $0x0  }
0x67: {  	s24 =	sadd.s32 $0x5000, s24;
	[sflag:s23] =	ssyncadd.s32 $0xFFFFE000  }
0x68: {  	[spmem:s2] =	stream.indirect.scatter.add.f32 [tilespmem:s19], [sflag:$0x2], $0x80, s24, s22, $0xb8;
	v63 =	vld [tilespmem:$0x0]  }
0x69: {  	_ =	swait.ge [sflag:s20], $0x2000  }
0x6a: {  	s31 =	sshll.u32 s0, $0x6;
	s3 =	sadd.s32 $0x1, s3;
	[sflag:s20] =	ssyncset.done $0x0  }
0x6b: {  	s25 =	sshrl.u32 s5, $0x3;
	p0 =	sne.s32 s3, s9;
	[sflag:s20] =	ssyncadd.s32 $0xFFFFE000  }
.Ltmp2:
0x6c: {  	s24 =	sor.u32 $0x1C02, s31;
	[bflag:$0x0] =	sbarrier.arrive $0xFFFF;
	(pc) =	sbr.rel @p0 .LBB2_1-.Ltmp2, $4  }
0x6d: {  	[hbm:s8], [sflag:s24] =	dma.local [spmem:s25], $0x2800  }
0x6e: {  	_ =	swait.ge [sflag:s20], $0x2800  }
0x6f: {  	[sflag:s20] =	ssyncset.done $0x0  }
0x70: {  	[sflag:s20] =	ssyncadd.s32 $0xFFFFD800  }
0x71: {  	_ =	sfence.sel $0x180000  }
0x72: {  	[bflag:$0x0] =	sbarrier.arrive $0xFFFF  }
0x73: {  	p0 =	sne.s32 s0, $0x0;
	_ =	strace $0x90000050  }
0x74: {  	s0 =	sadd.s32 @!p0 $0x100000, s1;
	[bflag:$0x2] =	sbarrier.arrive $0xFFFF  }
0x75: {  	[sflag:s0] =	ssyncadd.tile.s32 @!p0 $0x1;
	_ =	shalt  }
.Lfunc_end2:
_tile_overlayer_lowered:
.L_overlay_start_2:
0x76: {  	(tag) =	ssettag $0x2  }
0x77: {  	s0 =	rddreg [dreg:$0x0];
	s2 =	stileid.u32  }
0x78: {  	s1 =	rddreg [dreg:$0x1];
	p0 =	sne.s32 s2, $0x0  }
0x79: {  	s3 =	rddreg [dreg:$0x2];
	[bflag:$0x3] =	sbarrier.arrive $0xFFFF;
	s2 =	simm.s32 @!p0 $0x1C02  }
0x7a: {  	[timem:s3], [sflag:s2] =	dma.local @!p0 [hbm:s0], s1  }
0x7b: {  	s0 =	simm.s32 @!p0 $0x2  }
0x7c: {  	_ =	swait.ge @!p0 [sflag:s0], s1  }
0x7d: {  	s1 =	ssub.s32 @!p0 $0x0, s1;
	[sflag:s0] =	ssyncset.done @!p0 $0x0  }
0x7e: {  	[sflag:s0] =	ssyncadd.s32 @!p0 s1  }
0x7f: {  	[bflag:$0x3] =	sbarrier.arrive $0xFFFF  }
0x80: {  	_ =	shalt  }

</sc_bundles>
